<compile_context>
chip_gen: v7x
topology: tpu7x:2x2x1
jax: 0.10.2.dev20260603
libtpu: 0.0.44.dev20260713+nightly
codegen_flags: <defaults>
</compile_context>

<pallas_src>
import math

import jax
import jax.numpy as jnp
from jax import lax
from jax.experimental import pallas as pl
from jax.experimental.pallas import tpu as pltpu
from jax.experimental.pallas import tpu_sc as plsc

VOCAB = 100000
EMBED_DIM = 128
BATCH = 1024
SEQ = 200

_NC = 2
_NS = 16
_NW = _NC * _NS

_TOTAL = BATCH * SEQ
_CHUNK = 80
_PER_W = _TOTAL // _NW
_NCHUNK = _PER_W // _CHUNK

_K = 2
_NBANK = 4
_NG = _NCHUNK // _K
_NR = _NG // _NBANK


def _sc_gather_body(table_hbm, idx_hbm, out_hbm, idx_v,
                    bank0, bank1, bank2, bank3,
                    sg0, sg1, sg2, sg3, sp0, sp1, sp2, sp3):
    banks = (bank0, bank1, bank2, bank3)
    semg = (sg0, sg1, sg2, sg3)
    semp = (sp0, sp1, sp2, sp3)

    wid = lax.axis_index("s") * _NC + lax.axis_index("c")
    base = wid * _PER_W
    pltpu.sync_copy(idx_hbm.at[pl.ds(base, _PER_W)], idx_v)

    def _gather_copy(c, x, k):
        return pltpu.make_async_copy(
            table_hbm.at[idx_v.at[pl.ds(c * _CHUNK, _CHUNK)]],
            banks[x].at[k],
            semg[x],
        )

    def _put_copy(c, x, k):
        return pltpu.make_async_copy(
            banks[x].at[k],
            out_hbm.at[pl.ds(base + c * _CHUNK, _CHUNK)],
            semp[x],
        )

    def group_gathers(j, x):
        for k in range(_K):
            _gather_copy(j * _K + k, x, k).start()

    def group_drain_gathers(j, x):
        for k in range(_K):
            _gather_copy(j * _K + k, x, k).wait()

    def group_puts(j, x):
        for k in range(_K):
            _put_copy(j * _K + k, x, k).start()

    def group_drain_puts(j, x):
        for k in range(_K):
            _put_copy(j * _K + k, x, k).wait()

    group_gathers(0, 0)
    for x in range(1, _NBANK):
        group_gathers(x, x)
        group_drain_gathers(x - 1, x - 1)
        group_puts(x - 1, x - 1)

    def steady(r, _):
        jbase = r * _NBANK
        for x in range(_NBANK):
            j = jbase + x
            xp = (x - 1) % _NBANK
            group_drain_puts(j - _NBANK, x)
            group_gathers(j, x)
            group_drain_gathers(j - 1, xp)
            group_puts(j - 1, xp)
        return 0

    lax.fori_loop(1, _NR, steady, 0)

    xl = (_NG - 1) % _NBANK
    group_drain_gathers(_NG - 1, xl)
    group_puts(_NG - 1, xl)
    for j in range(_NG - _NBANK, _NG):
        group_drain_puts(j, j % _NBANK)


@jax.jit
def _sc_gather(table, idx_flat):
    mesh = plsc.VectorSubcoreMesh(core_axis_name="c", subcore_axis_name="s")
    bank = pltpu.VMEM((_K, _CHUNK, EMBED_DIM), jnp.float32)
    return pl.kernel(
        _sc_gather_body,
        out_type=jax.ShapeDtypeStruct((_TOTAL, EMBED_DIM), jnp.float32),
        mesh=mesh,
        scratch_types=(
            [pltpu.VMEM((_PER_W,), jnp.int32)]
            + [bank] * _NBANK
            + [pltpu.SemaphoreType.DMA] * (2 * _NBANK)
        ),
    )(table, idx_flat)


def _pe_body(out_ref):
    shape = (SEQ, EMBED_DIM)
    pos = lax.broadcasted_iota(jnp.int32, shape, 0).astype(jnp.float32)
    i = lax.broadcasted_iota(jnp.int32, shape, 1)
    two_floor = (2 * (i // 2)).astype(jnp.float32)
    inv_freq = jnp.exp(two_floor * (-math.log(10000.0) / float(EMBED_DIM)))
    angle = pos * inv_freq
    odd = (i % 2) == 1
    out_ref[...] = jnp.where(odd, jnp.cos(angle), jnp.sin(angle))


@jax.jit
def _pos_encoding():
    return pl.pallas_call(
        _pe_body,
        out_shape=jax.ShapeDtypeStruct((SEQ, EMBED_DIM), jnp.float32),
    )()


def kernel(inputs, table):
    idx_flat = inputs.reshape(_TOTAL)
    embed = _sc_gather(table, idx_flat)
    pe = _pos_encoding()
    return embed.reshape(BATCH, SEQ, EMBED_DIM), pe

# --- scband reference (transcript-rebuilt; emitter-appended) ---
"""Pipeline reference for scband-positional-sin-embedding-60851096650125 (READ-ONLY COPY).

The authoritative reference and input builder live on the scoring server;
editing this copy changes nothing except your own understanding.
"""

import jax, jax.numpy as jnp
import numpy as np

VOCAB = 100000
EMBED_DIM = 128
BATCH = 1024
SEQ = 200


def _pos_encoding(n_step, n_embed):
    pos = jnp.arange(n_step, dtype=jnp.float32).reshape(-1, 1)
    i = jnp.arange(n_embed, dtype=jnp.float32)
    angle = pos * (1.0 / jnp.power(10000.0, 2.0 * jnp.floor(i / 2.0) / float(n_embed)))
    odd = (jnp.arange(n_embed) % 2).astype(bool)
    return jnp.where(odd, jnp.cos(angle), jnp.sin(angle))


def setup_inputs(seed: int = 0):
    key = jax.random.key(seed)
    k1, k2 = jax.random.split(key)
    inputs = jax.random.randint(k1, (BATCH, SEQ), 0, VOCAB, dtype=jnp.int32)
    table = jax.random.normal(k2, (VOCAB, EMBED_DIM), dtype=jnp.float32) * 0.02
    return {"inputs": inputs, "table": table}


def reference(inputs, table):
    # Embedding lookup (gather rows from the table)
    inputs_embed = jnp.take(table, inputs, axis=0)  # (B, L, D)
    # Sinusoidal positional encoding of shape (L, D)
    inputs_positional_encoding = _pos_encoding(inputs_embed.shape[-2], inputs_embed.shape[-1])
    return (inputs_embed, inputs_positional_encoding)

if __name__ == "__main__":
    import jax
    _d = setup_inputs()
    print(jax.jit(kernel)(*tuple(_d.values())))

</pallas_src>

<mosaic_0001>
#map = affine_map<(d0, d1) -> (0, 0)>
#map1 = affine_map<(d0, d1) -> (0)>
module attributes {stable_mosaic.version = 14 : i64} {
  func.func @_sc_gather_body(%arg0: i32, %arg1: i32, %arg2: memref<100000x128xf32, #tpu.memory_space<hbm>>, %arg3: memref<204800xi32, #tpu.memory_space<hbm>>, %arg4: memref<204800x128xf32, #tpu.memory_space<hbm>>, %arg5: memref<6400xi32, #tpu.memory_space<vmem>>, %arg6: memref<2x80x128xf32, #tpu.memory_space<vmem>>, %arg7: memref<2x80x128xf32, #tpu.memory_space<vmem>>, %arg8: memref<2x80x128xf32, #tpu.memory_space<vmem>>, %arg9: memref<2x80x128xf32, #tpu.memory_space<vmem>>, %arg10: memref<!tpu.dma_semaphore, #tpu.memory_space<semaphore_mem>>, %arg11: memref<!tpu.dma_semaphore, #tpu.memory_space<semaphore_mem>>, %arg12: memref<!tpu.dma_semaphore, #tpu.memory_space<semaphore_mem>>, %arg13: memref<!tpu.dma_semaphore, #tpu.memory_space<semaphore_mem>>, %arg14: memref<!tpu.dma_semaphore, #tpu.memory_space<semaphore_mem>>, %arg15: memref<!tpu.dma_semaphore, #tpu.memory_space<semaphore_mem>>, %arg16: memref<!tpu.dma_semaphore, #tpu.memory_space<semaphore_mem>>, %arg17: memref<!tpu.dma_semaphore, #tpu.memory_space<semaphore_mem>>) attributes {dimension_semantics = [#tpu.dimension_semantics<core_parallel>, #tpu.dimension_semantics<subcore_parallel>], iteration_bounds = array<i64: 2, 16>, scalar_prefetch = 0 : i64, scratch_operands = 13 : i64, tpu.core_type = #tpu.core_type<sc_vector_subcore>, window_params = [{transform_indices = #map}, {transform_indices = #map1}, {transform_indices = #map}]} {
    %mul3A = arith.constant 2 : i32
    %mul3A_0 = arith.muli %arg1, %mul3A : i32
    %add3A = arith.addi %mul3A_0, %arg0 : i32
    %mul3A_1 = arith.constant 6400 : i32
    %mul3A_2 = arith.muli %add3A, %mul3A_1 : i32
    "tpu.region"() ({
      %run_scoped3A = tpu.sem_alloc : memref<!tpu.dma_semaphore, #tpu.memory_space<semaphore_mem>>
      %dma_start3A_407 = tpu.memref_slice %arg3[%mul3A_2] : memref<204800xi32, #tpu.memory_space<hbm>> -> memref<6400xi32, #tpu.memory_space<hbm>>
      %dma_start3A_408 = tpu.memref_slice %arg3[%mul3A_2] : memref<204800xi32, #tpu.memory_space<hbm>> -> memref<6400xi32, #tpu.memory_space<hbm>>
      tpu.enqueue_dma source(%dma_start3A_408 : memref<6400xi32, #tpu.memory_space<hbm>>) target(%arg5 : memref<6400xi32, #tpu.memory_space<vmem>>) target_semaphore(%run_scoped3A : memref<!tpu.dma_semaphore, #tpu.memory_space<semaphore_mem>>)
      %dma_wait3A_409 = tpu.memref_slice %arg3[%mul3A_2] : memref<204800xi32, #tpu.memory_space<hbm>> -> memref<6400xi32, #tpu.memory_space<hbm>>
      %dma_wait3A_410 = tpu.memref_slice %arg3[%mul3A_2] : memref<204800xi32, #tpu.memory_space<hbm>> -> memref<6400xi32, #tpu.memory_space<hbm>>
      tpu.wait_dma2 semaphore(%run_scoped3A : memref<!tpu.dma_semaphore, #tpu.memory_space<semaphore_mem>>) src(%dma_wait3A_410 : memref<6400xi32, #tpu.memory_space<hbm>>) dst(%arg5 : memref<6400xi32, #tpu.memory_space<vmem>>)
      tpu.yield
    }) : () -> ()
    %dma_start3A = arith.constant 0 : i32
    %dma_start3A_3 = arith.constant 0 : i32
    %dma_start3A_4 = arith.constant 0 : i32
    %dma_start3A_5 = tpu.memref_slice %arg6[%dma_start3A, %dma_start3A_3, %dma_start3A_4] : memref<2x80x128xf32, #tpu.memory_space<vmem>> -> memref<1x80x128xf32, #tpu.memory_space<vmem>>
    %dma_start3A_6 = tpu.memref_squeeze %dma_start3A_5 : memref<1x80x128xf32, #tpu.memory_space<vmem>> -> memref<80x128xf32, #tpu.memory_space<vmem>>
    %dma_start3A_7 = arith.constant 0 : i32
    %dma_start3A_8 = tpu.memref_slice %arg5[%dma_start3A_7] : memref<6400xi32, #tpu.memory_space<vmem>> -> memref<80xi32, #tpu.memory_space<vmem>>
    %dma_start3A_9 = arith.constant 0 : i32
    %dma_start3A_10 = arith.constant 0 : i32
    %dma_start3A_11 = tpu.memref_slice %arg2[%dma_start3A_9, %dma_start3A_10] : memref<100000x128xf32, #tpu.memory_space<hbm>> -> memref<100000x128xf32, #tpu.memory_space<hbm>>
    tpu.enqueue_indirect_dma source(%dma_start3A_11 : memref<100000x128xf32, #tpu.memory_space<hbm>>) target(%dma_start3A_6 : memref<80x128xf32, #tpu.memory_space<vmem>>) offsets(%dma_start3A_8 : memref<80xi32, #tpu.memory_space<vmem>>) semaphore(%arg10 : memref<!tpu.dma_semaphore, #tpu.memory_space<semaphore_mem>>)
    %dma_start3A_12 = arith.constant 1 : i32
    %dma_start3A_13 = arith.constant 0 : i32
    %dma_start3A_14 = arith.constant 0 : i32
    %dma_start3A_15 = tpu.memref_slice %arg6[%dma_start3A_12, %dma_start3A_13, %dma_start3A_14] : memref<2x80x128xf32, #tpu.memory_space<vmem>> -> memref<1x80x128xf32, #tpu.memory_space<vmem>>
    %dma_start3A_16 = tpu.memref_squeeze %dma_start3A_15 : memref<1x80x128xf32, #tpu.memory_space<vmem>> -> memref<80x128xf32, #tpu.memory_space<vmem>>
    %dma_start3A_17 = arith.constant 80 : i32
    %dma_start3A_18 = tpu.memref_slice %arg5[%dma_start3A_17] : memref<6400xi32, #tpu.memory_space<vmem>> -> memref<80xi32, #tpu.memory_space<vmem>>
    %dma_start3A_19 = arith.constant 0 : i32
    %dma_start3A_20 = arith.constant 0 : i32
    %dma_start3A_21 = tpu.memref_slice %arg2[%dma_start3A_19, %dma_start3A_20] : memref<100000x128xf32, #tpu.memory_space<hbm>> -> memref<100000x128xf32, #tpu.memory_space<hbm>>
    tpu.enqueue_indirect_dma source(%dma_start3A_21 : memref<100000x128xf32, #tpu.memory_space<hbm>>) target(%dma_start3A_16 : memref<80x128xf32, #tpu.memory_space<vmem>>) offsets(%dma_start3A_18 : memref<80xi32, #tpu.memory_space<vmem>>) semaphore(%arg10 : memref<!tpu.dma_semaphore, #tpu.memory_space<semaphore_mem>>)
    %dma_start3A_22 = arith.constant 0 : i32
    %dma_start3A_23 = arith.constant 0 : i32
    %dma_start3A_24 = arith.constant 0 : i32
    %dma_start3A_25 = tpu.memref_slice %arg7[%dma_start3A_22, %dma_start3A_23, %dma_start3A_24] : memref<2x80x128xf32, #tpu.memory_space<vmem>> -> memref<1x80x128xf32, #tpu.memory_space<vmem>>
    %dma_start3A_26 = tpu.memref_squeeze %dma_start3A_25 : memref<1x80x128xf32, #tpu.memory_space<vmem>> -> memref<80x128xf32, #tpu.memory_space<vmem>>
    %dma_start3A_27 = arith.constant 160 : i32
    %dma_start3A_28 = tpu.memref_slice %arg5[%dma_start3A_27] : memref<6400xi32, #tpu.memory_space<vmem>> -> memref<80xi32, #tpu.memory_space<vmem>>
    %dma_start3A_29 = arith.constant 0 : i32
    %dma_start3A_30 = arith.constant 0 : i32
    %dma_start3A_31 = tpu.memref_slice %arg2[%dma_start3A_29, %dma_start3A_30] : memref<100000x128xf32, #tpu.memory_space<hbm>> -> memref<100000x128xf32, #tpu.memory_space<hbm>>
    tpu.enqueue_indirect_dma source(%dma_start3A_31 : memref<100000x128xf32, #tpu.memory_space<hbm>>) target(%dma_start3A_26 : memref<80x128xf32, #tpu.memory_space<vmem>>) offsets(%dma_start3A_28 : memref<80xi32, #tpu.memory_space<vmem>>) semaphore(%arg11 : memref<!tpu.dma_semaphore, #tpu.memory_space<semaphore_mem>>)
    %dma_start3A_32 = arith.constant 1 : i32
    %dma_start3A_33 = arith.constant 0 : i32
    %dma_start3A_34 = arith.constant 0 : i32
    %dma_start3A_35 = tpu.memref_slice %arg7[%dma_start3A_32, %dma_start3A_33, %dma_start3A_34] : memref<2x80x128xf32, #tpu.memory_space<vmem>> -> memref<1x80x128xf32, #tpu.memory_space<vmem>>
    %dma_start3A_36 = tpu.memref_squeeze %dma_start3A_35 : memref<1x80x128xf32, #tpu.memory_space<vmem>> -> memref<80x128xf32, #tpu.memory_space<vmem>>
    %dma_start3A_37 = arith.constant 240 : i32
    %dma_start3A_38 = tpu.memref_slice %arg5[%dma_start3A_37] : memref<6400xi32, #tpu.memory_space<vmem>> -> memref<80xi32, #tpu.memory_space<vmem>>
    %dma_start3A_39 = arith.constant 0 : i32
    %dma_start3A_40 = arith.constant 0 : i32
    %dma_start3A_41 = tpu.memref_slice %arg2[%dma_start3A_39, %dma_start3A_40] : memref<100000x128xf32, #tpu.memory_space<hbm>> -> memref<100000x128xf32, #tpu.memory_space<hbm>>
    tpu.enqueue_indirect_dma source(%dma_start3A_41 : memref<100000x128xf32, #tpu.memory_space<hbm>>) target(%dma_start3A_36 : memref<80x128xf32, #tpu.memory_space<vmem>>) offsets(%dma_start3A_38 : memref<80xi32, #tpu.memory_space<vmem>>) semaphore(%arg11 : memref<!tpu.dma_semaphore, #tpu.memory_space<semaphore_mem>>)
    %dma_wait3A = arith.constant 0 : i32
    %dma_wait3A_42 = arith.constant 0 : i32
    %dma_wait3A_43 = arith.constant 0 : i32
    %dma_wait3A_44 = tpu.memref_slice %arg6[%dma_wait3A, %dma_wait3A_42, %dma_wait3A_43] : memref<2x80x128xf32, #tpu.memory_space<vmem>> -> memref<1x80x128xf32, #tpu.memory_space<vmem>>
    %dma_wait3A_45 = tpu.memref_squeeze %dma_wait3A_44 : memref<1x80x128xf32, #tpu.memory_space<vmem>> -> memref<80x128xf32, #tpu.memory_space<vmem>>
    %dma_wait3A_46 = arith.constant 0 : i32
    %dma_wait3A_47 = tpu.memref_slice %arg5[%dma_wait3A_46] : memref<6400xi32, #tpu.memory_space<vmem>> -> memref<80xi32, #tpu.memory_space<vmem>>
    %dma_wait3A_48 = arith.constant 0 : i32
    %dma_wait3A_49 = arith.constant 0 : i32
    %dma_wait3A_50 = tpu.memref_slice %arg2[%dma_wait3A_48, %dma_wait3A_49] : memref<100000x128xf32, #tpu.memory_space<hbm>> -> memref<100000x128xf32, #tpu.memory_space<hbm>>
    tpu.wait_indirect_dma semaphore(%arg10 : memref<!tpu.dma_semaphore, #tpu.memory_space<semaphore_mem>>) src(%dma_wait3A_50 : memref<100000x128xf32, #tpu.memory_space<hbm>>) dst(%dma_wait3A_45 : memref<80x128xf32, #tpu.memory_space<vmem>>)
    %dma_wait3A_51 = arith.constant 1 : i32
    %dma_wait3A_52 = arith.constant 0 : i32
    %dma_wait3A_53 = arith.constant 0 : i32
    %dma_wait3A_54 = tpu.memref_slice %arg6[%dma_wait3A_51, %dma_wait3A_52, %dma_wait3A_53] : memref<2x80x128xf32, #tpu.memory_space<vmem>> -> memref<1x80x128xf32, #tpu.memory_space<vmem>>
    %dma_wait3A_55 = tpu.memref_squeeze %dma_wait3A_54 : memref<1x80x128xf32, #tpu.memory_space<vmem>> -> memref<80x128xf32, #tpu.memory_space<vmem>>
    %dma_wait3A_56 = arith.constant 80 : i32
    %dma_wait3A_57 = tpu.memref_slice %arg5[%dma_wait3A_56] : memref<6400xi32, #tpu.memory_space<vmem>> -> memref<80xi32, #tpu.memory_space<vmem>>
    %dma_wait3A_58 = arith.constant 0 : i32
    %dma_wait3A_59 = arith.constant 0 : i32
    %dma_wait3A_60 = tpu.memref_slice %arg2[%dma_wait3A_58, %dma_wait3A_59] : memref<100000x128xf32, #tpu.memory_space<hbm>> -> memref<100000x128xf32, #tpu.memory_space<hbm>>
    tpu.wait_indirect_dma semaphore(%arg10 : memref<!tpu.dma_semaphore, #tpu.memory_space<semaphore_mem>>) src(%dma_wait3A_60 : memref<100000x128xf32, #tpu.memory_space<hbm>>) dst(%dma_wait3A_55 : memref<80x128xf32, #tpu.memory_space<vmem>>)
    %add3A_61 = arith.constant 0 : i32
    %add3A_62 = arith.addi %mul3A_2, %add3A_61 : i32
    %dma_start3A_63 = arith.constant 0 : i32
    %dma_start3A_64 = arith.constant 0 : i32
    %dma_start3A_65 = arith.constant 0 : i32
    %dma_start3A_66 = tpu.memref_slice %arg6[%dma_start3A_63, %dma_start3A_64, %dma_start3A_65] : memref<2x80x128xf32, #tpu.memory_space<vmem>> -> memref<1x80x128xf32, #tpu.memory_space<vmem>>
    %dma_start3A_67 = tpu.memref_squeeze %dma_start3A_66 : memref<1x80x128xf32, #tpu.memory_space<vmem>> -> memref<80x128xf32, #tpu.memory_space<vmem>>
    %dma_start3A_68 = arith.constant 0 : i32
    %dma_start3A_69 = tpu.memref_slice %arg4[%add3A_62, %dma_start3A_68] : memref<204800x128xf32, #tpu.memory_space<hbm>> -> memref<80x128xf32, #tpu.memory_space<hbm>>
    %dma_start3A_70 = arith.constant 0 : i32
    %dma_start3A_71 = tpu.memref_slice %arg4[%add3A_62, %dma_start3A_70] : memref<204800x128xf32, #tpu.memory_space<hbm>> -> memref<80x128xf32, #tpu.memory_space<hbm>>
    %dma_start3A_72 = arith.constant 0 : i32
    %dma_start3A_73 = arith.constant 0 : i32
    %dma_start3A_74 = tpu.memref_slice %arg6[%dma_start3A_63, %dma_start3A_72, %dma_start3A_73] : memref<2x80x128xf32, #tpu.memory_space<vmem>> -> memref<1x80x128xf32, #tpu.memory_space<vmem>>
    %dma_start3A_75 = tpu.memref_squeeze %dma_start3A_74 : memref<1x80x128xf32, #tpu.memory_space<vmem>> -> memref<80x128xf32, #tpu.memory_space<vmem>>
    tpu.enqueue_dma source(%dma_start3A_75 : memref<80x128xf32, #tpu.memory_space<vmem>>) target(%dma_start3A_71 : memref<80x128xf32, #tpu.memory_space<hbm>>) target_semaphore(%arg14 : memref<!tpu.dma_semaphore, #tpu.memory_space<semaphore_mem>>)
    %add3A_76 = arith.constant 80 : i32
    %add3A_77 = arith.addi %mul3A_2, %add3A_76 : i32
    %dma_start3A_78 = arith.constant 1 : i32
    %dma_start3A_79 = arith.constant 0 : i32
    %dma_start3A_80 = arith.constant 0 : i32
    %dma_start3A_81 = tpu.memref_slice %arg6[%dma_start3A_78, %dma_start3A_79, %dma_start3A_80] : memref<2x80x128xf32, #tpu.memory_space<vmem>> -> memref<1x80x128xf32, #tpu.memory_space<vmem>>
    %dma_start3A_82 = tpu.memref_squeeze %dma_start3A_81 : memref<1x80x128xf32, #tpu.memory_space<vmem>> -> memref<80x128xf32, #tpu.memory_space<vmem>>
    %dma_start3A_83 = arith.constant 0 : i32
    %dma_start3A_84 = tpu.memref_slice %arg4[%add3A_77, %dma_start3A_83] : memref<204800x128xf32, #tpu.memory_space<hbm>> -> memref<80x128xf32, #tpu.memory_space<hbm>>
    %dma_start3A_85 = arith.constant 0 : i32
    %dma_start3A_86 = tpu.memref_slice %arg4[%add3A_77, %dma_start3A_85] : memref<204800x128xf32, #tpu.memory_space<hbm>> -> memref<80x128xf32, #tpu.memory_space<hbm>>
    %dma_start3A_87 = arith.constant 0 : i32
    %dma_start3A_88 = arith.constant 0 : i32
    %dma_start3A_89 = tpu.memref_slice %arg6[%dma_start3A_78, %dma_start3A_87, %dma_start3A_88] : memref<2x80x128xf32, #tpu.memory_space<vmem>> -> memref<1x80x128xf32, #tpu.memory_space<vmem>>
    %dma_start3A_90 = tpu.memref_squeeze %dma_start3A_89 : memref<1x80x128xf32, #tpu.memory_space<vmem>> -> memref<80x128xf32, #tpu.memory_space<vmem>>
    tpu.enqueue_dma source(%dma_start3A_90 : memref<80x128xf32, #tpu.memory_space<vmem>>) target(%dma_start3A_86 : memref<80x128xf32, #tpu.memory_space<hbm>>) target_semaphore(%arg14 : memref<!tpu.dma_semaphore, #tpu.memory_space<semaphore_mem>>)
    %dma_start3A_91 = arith.constant 0 : i32
    %dma_start3A_92 = arith.constant 0 : i32
    %dma_start3A_93 = arith.constant 0 : i32
    %dma_start3A_94 = tpu.memref_slice %arg8[%dma_start3A_91, %dma_start3A_92, %dma_start3A_93] : memref<2x80x128xf32, #tpu.memory_space<vmem>> -> memref<1x80x128xf32, #tpu.memory_space<vmem>>
    %dma_start3A_95 = tpu.memref_squeeze %dma_start3A_94 : memref<1x80x128xf32, #tpu.memory_space<vmem>> -> memref<80x128xf32, #tpu.memory_space<vmem>>
    %dma_start3A_96 = arith.constant 320 : i32
    %dma_start3A_97 = tpu.memref_slice %arg5[%dma_start3A_96] : memref<6400xi32, #tpu.memory_space<vmem>> -> memref<80xi32, #tpu.memory_space<vmem>>
    %dma_start3A_98 = arith.constant 0 : i32
    %dma_start3A_99 = arith.constant 0 : i32
    %dma_start3A_100 = tpu.memref_slice %arg2[%dma_start3A_98, %dma_start3A_99] : memref<100000x128xf32, #tpu.memory_space<hbm>> -> memref<100000x128xf32, #tpu.memory_space<hbm>>
    tpu.enqueue_indirect_dma source(%dma_start3A_100 : memref<100000x128xf32, #tpu.memory_space<hbm>>) target(%dma_start3A_95 : memref<80x128xf32, #tpu.memory_space<vmem>>) offsets(%dma_start3A_97 : memref<80xi32, #tpu.memory_space<vmem>>) semaphore(%arg12 : memref<!tpu.dma_semaphore, #tpu.memory_space<semaphore_mem>>)
    %dma_start3A_101 = arith.constant 1 : i32
    %dma_start3A_102 = arith.constant 0 : i32
    %dma_start3A_103 = arith.constant 0 : i32
    %dma_start3A_104 = tpu.memref_slice %arg8[%dma_start3A_101, %dma_start3A_102, %dma_start3A_103] : memref<2x80x128xf32, #tpu.memory_space<vmem>> -> memref<1x80x128xf32, #tpu.memory_space<vmem>>
    %dma_start3A_105 = tpu.memref_squeeze %dma_start3A_104 : memref<1x80x128xf32, #tpu.memory_space<vmem>> -> memref<80x128xf32, #tpu.memory_space<vmem>>
    %dma_start3A_106 = arith.constant 400 : i32
    %dma_start3A_107 = tpu.memref_slice %arg5[%dma_start3A_106] : memref<6400xi32, #tpu.memory_space<vmem>> -> memref<80xi32, #tpu.memory_space<vmem>>
    %dma_start3A_108 = arith.constant 0 : i32
    %dma_start3A_109 = arith.constant 0 : i32
    %dma_start3A_110 = tpu.memref_slice %arg2[%dma_start3A_108, %dma_start3A_109] : memref<100000x128xf32, #tpu.memory_space<hbm>> -> memref<100000x128xf32, #tpu.memory_space<hbm>>
    tpu.enqueue_indirect_dma source(%dma_start3A_110 : memref<100000x128xf32, #tpu.memory_space<hbm>>) target(%dma_start3A_105 : memref<80x128xf32, #tpu.memory_space<vmem>>) offsets(%dma_start3A_107 : memref<80xi32, #tpu.memory_space<vmem>>) semaphore(%arg12 : memref<!tpu.dma_semaphore, #tpu.memory_space<semaphore_mem>>)
    %dma_wait3A_111 = arith.constant 0 : i32
    %dma_wait3A_112 = arith.constant 0 : i32
    %dma_wait3A_113 = arith.constant 0 : i32
    %dma_wait3A_114 = tpu.memref_slice %arg7[%dma_wait3A_111, %dma_wait3A_112, %dma_wait3A_113] : memref<2x80x128xf32, #tpu.memory_space<vmem>> -> memref<1x80x128xf32, #tpu.memory_space<vmem>>
    %dma_wait3A_115 = tpu.memref_squeeze %dma_wait3A_114 : memref<1x80x128xf32, #tpu.memory_space<vmem>> -> memref<80x128xf32, #tpu.memory_space<vmem>>
    %dma_wait3A_116 = arith.constant 160 : i32
    %dma_wait3A_117 = tpu.memref_slice %arg5[%dma_wait3A_116] : memref<6400xi32, #tpu.memory_space<vmem>> -> memref<80xi32, #tpu.memory_space<vmem>>
    %dma_wait3A_118 = arith.constant 0 : i32
    %dma_wait3A_119 = arith.constant 0 : i32
    %dma_wait3A_120 = tpu.memref_slice %arg2[%dma_wait3A_118, %dma_wait3A_119] : memref<100000x128xf32, #tpu.memory_space<hbm>> -> memref<100000x128xf32, #tpu.memory_space<hbm>>
    tpu.wait_indirect_dma semaphore(%arg11 : memref<!tpu.dma_semaphore, #tpu.memory_space<semaphore_mem>>) src(%dma_wait3A_120 : memref<100000x128xf32, #tpu.memory_space<hbm>>) dst(%dma_wait3A_115 : memref<80x128xf32, #tpu.memory_space<vmem>>)
    %dma_wait3A_121 = arith.constant 1 : i32
    %dma_wait3A_122 = arith.constant 0 : i32
    %dma_wait3A_123 = arith.constant 0 : i32
    %dma_wait3A_124 = tpu.memref_slice %arg7[%dma_wait3A_121, %dma_wait3A_122, %dma_wait3A_123] : memref<2x80x128xf32, #tpu.memory_space<vmem>> -> memref<1x80x128xf32, #tpu.memory_space<vmem>>
    %dma_wait3A_125 = tpu.memref_squeeze %dma_wait3A_124 : memref<1x80x128xf32, #tpu.memory_space<vmem>> -> memref<80x128xf32, #tpu.memory_space<vmem>>
    %dma_wait3A_126 = arith.constant 240 : i32
    %dma_wait3A_127 = tpu.memref_slice %arg5[%dma_wait3A_126] : memref<6400xi32, #tpu.memory_space<vmem>> -> memref<80xi32, #tpu.memory_space<vmem>>
    %dma_wait3A_128 = arith.constant 0 : i32
    %dma_wait3A_129 = arith.constant 0 : i32
    %dma_wait3A_130 = tpu.memref_slice %arg2[%dma_wait3A_128, %dma_wait3A_129] : memref<100000x128xf32, #tpu.memory_space<hbm>> -> memref<100000x128xf32, #tpu.memory_space<hbm>>
    tpu.wait_indirect_dma semaphore(%arg11 : memref<!tpu.dma_semaphore, #tpu.memory_space<semaphore_mem>>) src(%dma_wait3A_130 : memref<100000x128xf32, #tpu.memory_space<hbm>>) dst(%dma_wait3A_125 : memref<80x128xf32, #tpu.memory_space<vmem>>)
    %add3A_131 = arith.constant 160 : i32
    %add3A_132 = arith.addi %mul3A_2, %add3A_131 : i32
    %dma_start3A_133 = arith.constant 0 : i32
    %dma_start3A_134 = arith.constant 0 : i32
    %dma_start3A_135 = arith.constant 0 : i32
    %dma_start3A_136 = tpu.memref_slice %arg7[%dma_start3A_133, %dma_start3A_134, %dma_start3A_135] : memref<2x80x128xf32, #tpu.memory_space<vmem>> -> memref<1x80x128xf32, #tpu.memory_space<vmem>>
    %dma_start3A_137 = tpu.memref_squeeze %dma_start3A_136 : memref<1x80x128xf32, #tpu.memory_space<vmem>> -> memref<80x128xf32, #tpu.memory_space<vmem>>
    %dma_start3A_138 = arith.constant 0 : i32
    %dma_start3A_139 = tpu.memref_slice %arg4[%add3A_132, %dma_start3A_138] : memref<204800x128xf32, #tpu.memory_space<hbm>> -> memref<80x128xf32, #tpu.memory_space<hbm>>
    %dma_start3A_140 = arith.constant 0 : i32
    %dma_start3A_141 = tpu.memref_slice %arg4[%add3A_132, %dma_start3A_140] : memref<204800x128xf32, #tpu.memory_space<hbm>> -> memref<80x128xf32, #tpu.memory_space<hbm>>
    %dma_start3A_142 = arith.constant 0 : i32
    %dma_start3A_143 = arith.constant 0 : i32
    %dma_start3A_144 = tpu.memref_slice %arg7[%dma_start3A_133, %dma_start3A_142, %dma_start3A_143] : memref<2x80x128xf32, #tpu.memory_space<vmem>> -> memref<1x80x128xf32, #tpu.memory_space<vmem>>
    %dma_start3A_145 = tpu.memref_squeeze %dma_start3A_144 : memref<1x80x128xf32, #tpu.memory_space<vmem>> -> memref<80x128xf32, #tpu.memory_space<vmem>>
    tpu.enqueue_dma source(%dma_start3A_145 : memref<80x128xf32, #tpu.memory_space<vmem>>) target(%dma_start3A_141 : memref<80x128xf32, #tpu.memory_space<hbm>>) target_semaphore(%arg15 : memref<!tpu.dma_semaphore, #tpu.memory_space<semaphore_mem>>)
    %add3A_146 = arith.constant 240 : i32
    %add3A_147 = arith.addi %mul3A_2, %add3A_146 : i32
    %dma_start3A_148 = arith.constant 1 : i32
    %dma_start3A_149 = arith.constant 0 : i32
    %dma_start3A_150 = arith.constant 0 : i32
    %dma_start3A_151 = tpu.memref_slice %arg7[%dma_start3A_148, %dma_start3A_149, %dma_start3A_150] : memref<2x80x128xf32, #tpu.memory_space<vmem>> -> memref<1x80x128xf32, #tpu.memory_space<vmem>>
    %dma_start3A_152 = tpu.memref_squeeze %dma_start3A_151 : memref<1x80x128xf32, #tpu.memory_space<vmem>> -> memref<80x128xf32, #tpu.memory_space<vmem>>
    %dma_start3A_153 = arith.constant 0 : i32
    %dma_start3A_154 = tpu.memref_slice %arg4[%add3A_147, %dma_start3A_153] : memref<204800x128xf32, #tpu.memory_space<hbm>> -> memref<80x128xf32, #tpu.memory_space<hbm>>
    %dma_start3A_155 = arith.constant 0 : i32
    %dma_start3A_156 = tpu.memref_slice %arg4[%add3A_147, %dma_start3A_155] : memref<204800x128xf32, #tpu.memory_space<hbm>> -> memref<80x128xf32, #tpu.memory_space<hbm>>
    %dma_start3A_157 = arith.constant 0 : i32
    %dma_start3A_158 = arith.constant 0 : i32
    %dma_start3A_159 = tpu.memref_slice %arg7[%dma_start3A_148, %dma_start3A_157, %dma_start3A_158] : memref<2x80x128xf32, #tpu.memory_space<vmem>> -> memref<1x80x128xf32, #tpu.memory_space<vmem>>
    %dma_start3A_160 = tpu.memref_squeeze %dma_start3A_159 : memref<1x80x128xf32, #tpu.memory_space<vmem>> -> memref<80x128xf32, #tpu.memory_space<vmem>>
    tpu.enqueue_dma source(%dma_start3A_160 : memref<80x128xf32, #tpu.memory_space<vmem>>) target(%dma_start3A_156 : memref<80x128xf32, #tpu.memory_space<hbm>>) target_semaphore(%arg15 : memref<!tpu.dma_semaphore, #tpu.memory_space<semaphore_mem>>)
    %dma_start3A_161 = arith.constant 0 : i32
    %dma_start3A_162 = arith.constant 0 : i32
    %dma_start3A_163 = arith.constant 0 : i32
    %dma_start3A_164 = tpu.memref_slice %arg9[%dma_start3A_161, %dma_start3A_162, %dma_start3A_163] : memref<2x80x128xf32, #tpu.memory_space<vmem>> -> memref<1x80x128xf32, #tpu.memory_space<vmem>>
    %dma_start3A_165 = tpu.memref_squeeze %dma_start3A_164 : memref<1x80x128xf32, #tpu.memory_space<vmem>> -> memref<80x128xf32, #tpu.memory_space<vmem>>
    %dma_start3A_166 = arith.constant 480 : i32
    %dma_start3A_167 = tpu.memref_slice %arg5[%dma_start3A_166] : memref<6400xi32, #tpu.memory_space<vmem>> -> memref<80xi32, #tpu.memory_space<vmem>>
    %dma_start3A_168 = arith.constant 0 : i32
    %dma_start3A_169 = arith.constant 0 : i32
    %dma_start3A_170 = tpu.memref_slice %arg2[%dma_start3A_168, %dma_start3A_169] : memref<100000x128xf32, #tpu.memory_space<hbm>> -> memref<100000x128xf32, #tpu.memory_space<hbm>>
    tpu.enqueue_indirect_dma source(%dma_start3A_170 : memref<100000x128xf32, #tpu.memory_space<hbm>>) target(%dma_start3A_165 : memref<80x128xf32, #tpu.memory_space<vmem>>) offsets(%dma_start3A_167 : memref<80xi32, #tpu.memory_space<vmem>>) semaphore(%arg13 : memref<!tpu.dma_semaphore, #tpu.memory_space<semaphore_mem>>)
    %dma_start3A_171 = arith.constant 1 : i32
    %dma_start3A_172 = arith.constant 0 : i32
    %dma_start3A_173 = arith.constant 0 : i32
    %dma_start3A_174 = tpu.memref_slice %arg9[%dma_start3A_171, %dma_start3A_172, %dma_start3A_173] : memref<2x80x128xf32, #tpu.memory_space<vmem>> -> memref<1x80x128xf32, #tpu.memory_space<vmem>>
    %dma_start3A_175 = tpu.memref_squeeze %dma_start3A_174 : memref<1x80x128xf32, #tpu.memory_space<vmem>> -> memref<80x128xf32, #tpu.memory_space<vmem>>
    %dma_start3A_176 = arith.constant 560 : i32
    %dma_start3A_177 = tpu.memref_slice %arg5[%dma_start3A_176] : memref<6400xi32, #tpu.memory_space<vmem>> -> memref<80xi32, #tpu.memory_space<vmem>>
    %dma_start3A_178 = arith.constant 0 : i32
    %dma_start3A_179 = arith.constant 0 : i32
    %dma_start3A_180 = tpu.memref_slice %arg2[%dma_start3A_178, %dma_start3A_179] : memref<100000x128xf32, #tpu.memory_space<hbm>> -> memref<100000x128xf32, #tpu.memory_space<hbm>>
    tpu.enqueue_indirect_dma source(%dma_start3A_180 : memref<100000x128xf32, #tpu.memory_space<hbm>>) target(%dma_start3A_175 : memref<80x128xf32, #tpu.memory_space<vmem>>) offsets(%dma_start3A_177 : memref<80xi32, #tpu.memory_space<vmem>>) semaphore(%arg13 : memref<!tpu.dma_semaphore, #tpu.memory_space<semaphore_mem>>)
    %dma_wait3A_181 = arith.constant 0 : i32
    %dma_wait3A_182 = arith.constant 0 : i32
    %dma_wait3A_183 = arith.constant 0 : i32
    %dma_wait3A_184 = tpu.memref_slice %arg8[%dma_wait3A_181, %dma_wait3A_182, %dma_wait3A_183] : memref<2x80x128xf32, #tpu.memory_space<vmem>> -> memref<1x80x128xf32, #tpu.memory_space<vmem>>
    %dma_wait3A_185 = tpu.memref_squeeze %dma_wait3A_184 : memref<1x80x128xf32, #tpu.memory_space<vmem>> -> memref<80x128xf32, #tpu.memory_space<vmem>>
    %dma_wait3A_186 = arith.constant 320 : i32
    %dma_wait3A_187 = tpu.memref_slice %arg5[%dma_wait3A_186] : memref<6400xi32, #tpu.memory_space<vmem>> -> memref<80xi32, #tpu.memory_space<vmem>>
    %dma_wait3A_188 = arith.constant 0 : i32
    %dma_wait3A_189 = arith.constant 0 : i32
    %dma_wait3A_190 = tpu.memref_slice %arg2[%dma_wait3A_188, %dma_wait3A_189] : memref<100000x128xf32, #tpu.memory_space<hbm>> -> memref<100000x128xf32, #tpu.memory_space<hbm>>
    tpu.wait_indirect_dma semaphore(%arg12 : memref<!tpu.dma_semaphore, #tpu.memory_space<semaphore_mem>>) src(%dma_wait3A_190 : memref<100000x128xf32, #tpu.memory_space<hbm>>) dst(%dma_wait3A_185 : memref<80x128xf32, #tpu.memory_space<vmem>>)
    %dma_wait3A_191 = arith.constant 1 : i32
    %dma_wait3A_192 = arith.constant 0 : i32
    %dma_wait3A_193 = arith.constant 0 : i32
    %dma_wait3A_194 = tpu.memref_slice %arg8[%dma_wait3A_191, %dma_wait3A_192, %dma_wait3A_193] : memref<2x80x128xf32, #tpu.memory_space<vmem>> -> memref<1x80x128xf32, #tpu.memory_space<vmem>>
    %dma_wait3A_195 = tpu.memref_squeeze %dma_wait3A_194 : memref<1x80x128xf32, #tpu.memory_space<vmem>> -> memref<80x128xf32, #tpu.memory_space<vmem>>
    %dma_wait3A_196 = arith.constant 400 : i32
    %dma_wait3A_197 = tpu.memref_slice %arg5[%dma_wait3A_196] : memref<6400xi32, #tpu.memory_space<vmem>> -> memref<80xi32, #tpu.memory_space<vmem>>
    %dma_wait3A_198 = arith.constant 0 : i32
    %dma_wait3A_199 = arith.constant 0 : i32
    %dma_wait3A_200 = tpu.memref_slice %arg2[%dma_wait3A_198, %dma_wait3A_199] : memref<100000x128xf32, #tpu.memory_space<hbm>> -> memref<100000x128xf32, #tpu.memory_space<hbm>>
    tpu.wait_indirect_dma semaphore(%arg12 : memref<!tpu.dma_semaphore, #tpu.memory_space<semaphore_mem>>) src(%dma_wait3A_200 : memref<100000x128xf32, #tpu.memory_space<hbm>>) dst(%dma_wait3A_195 : memref<80x128xf32, #tpu.memory_space<vmem>>)
    %add3A_201 = arith.constant 320 : i32
    %add3A_202 = arith.addi %mul3A_2, %add3A_201 : i32
    %dma_start3A_203 = arith.constant 0 : i32
    %dma_start3A_204 = arith.constant 0 : i32
    %dma_start3A_205 = arith.constant 0 : i32
    %dma_start3A_206 = tpu.memref_slice %arg8[%dma_start3A_203, %dma_start3A_204, %dma_start3A_205] : memref<2x80x128xf32, #tpu.memory_space<vmem>> -> memref<1x80x128xf32, #tpu.memory_space<vmem>>
    %dma_start3A_207 = tpu.memref_squeeze %dma_start3A_206 : memref<1x80x128xf32, #tpu.memory_space<vmem>> -> memref<80x128xf32, #tpu.memory_space<vmem>>
    %dma_start3A_208 = arith.constant 0 : i32
    %dma_start3A_209 = tpu.memref_slice %arg4[%add3A_202, %dma_start3A_208] : memref<204800x128xf32, #tpu.memory_space<hbm>> -> memref<80x128xf32, #tpu.memory_space<hbm>>
    %dma_start3A_210 = arith.constant 0 : i32
    %dma_start3A_211 = tpu.memref_slice %arg4[%add3A_202, %dma_start3A_210] : memref<204800x128xf32, #tpu.memory_space<hbm>> -> memref<80x128xf32, #tpu.memory_space<hbm>>
    %dma_start3A_212 = arith.constant 0 : i32
    %dma_start3A_213 = arith.constant 0 : i32
    %dma_start3A_214 = tpu.memref_slice %arg8[%dma_start3A_203, %dma_start3A_212, %dma_start3A_213] : memref<2x80x128xf32, #tpu.memory_space<vmem>> -> memref<1x80x128xf32, #tpu.memory_space<vmem>>
    %dma_start3A_215 = tpu.memref_squeeze %dma_start3A_214 : memref<1x80x128xf32, #tpu.memory_space<vmem>> -> memref<80x128xf32, #tpu.memory_space<vmem>>
    tpu.enqueue_dma source(%dma_start3A_215 : memref<80x128xf32, #tpu.memory_space<vmem>>) target(%dma_start3A_211 : memref<80x128xf32, #tpu.memory_space<hbm>>) target_semaphore(%arg16 : memref<!tpu.dma_semaphore, #tpu.memory_space<semaphore_mem>>)
    %add3A_216 = arith.constant 400 : i32
    %add3A_217 = arith.addi %mul3A_2, %add3A_216 : i32
    %dma_start3A_218 = arith.constant 1 : i32
    %dma_start3A_219 = arith.constant 0 : i32
    %dma_start3A_220 = arith.constant 0 : i32
    %dma_start3A_221 = tpu.memref_slice %arg8[%dma_start3A_218, %dma_start3A_219, %dma_start3A_220] : memref<2x80x128xf32, #tpu.memory_space<vmem>> -> memref<1x80x128xf32, #tpu.memory_space<vmem>>
    %dma_start3A_222 = tpu.memref_squeeze %dma_start3A_221 : memref<1x80x128xf32, #tpu.memory_space<vmem>> -> memref<80x128xf32, #tpu.memory_space<vmem>>
    %dma_start3A_223 = arith.constant 0 : i32
    %dma_start3A_224 = tpu.memref_slice %arg4[%add3A_217, %dma_start3A_223] : memref<204800x128xf32, #tpu.memory_space<hbm>> -> memref<80x128xf32, #tpu.memory_space<hbm>>
    %dma_start3A_225 = arith.constant 0 : i32
    %dma_start3A_226 = tpu.memref_slice %arg4[%add3A_217, %dma_start3A_225] : memref<204800x128xf32, #tpu.memory_space<hbm>> -> memref<80x128xf32, #tpu.memory_space<hbm>>
    %dma_start3A_227 = arith.constant 0 : i32
    %dma_start3A_228 = arith.constant 0 : i32
    %dma_start3A_229 = tpu.memref_slice %arg8[%dma_start3A_218, %dma_start3A_227, %dma_start3A_228] : memref<2x80x128xf32, #tpu.memory_space<vmem>> -> memref<1x80x128xf32, #tpu.memory_space<vmem>>
    %dma_start3A_230 = tpu.memref_squeeze %dma_start3A_229 : memref<1x80x128xf32, #tpu.memory_space<vmem>> -> memref<80x128xf32, #tpu.memory_space<vmem>>
    tpu.enqueue_dma source(%dma_start3A_230 : memref<80x128xf32, #tpu.memory_space<vmem>>) target(%dma_start3A_226 : memref<80x128xf32, #tpu.memory_space<hbm>>) target_semaphore(%arg16 : memref<!tpu.dma_semaphore, #tpu.memory_space<semaphore_mem>>)
    %scan3A = arith.constant 0 : i32
    %scan3A_231 = arith.constant 1 : i32
    %scan3A_232 = arith.constant 9 : i32
    %scan3A_233 = arith.addi %scan3A_231, %scan3A_232 : i32
    %scan3A_234 = arith.constant 1 : i32
    %scan3A_235 = scf.for %scan3A_407 = %scan3A_231 to %scan3A_233 step %scan3A_234 iter_args(%scan3A_408 = %scan3A) -> (i32)  : i32 {
      %mul3A_409 = arith.constant 4 : i32
      %mul3A_410 = arith.muli %scan3A_407, %mul3A_409 : i32
      %add3A_411 = arith.constant 0 : i32
      %add3A_412 = arith.addi %mul3A_410, %add3A_411 : i32
      %sub3A = arith.constant 4 : i32
      %sub3A_413 = arith.subi %add3A_412, %sub3A : i32
      %mul3A_414 = arith.constant 2 : i32
      %mul3A_415 = arith.muli %sub3A_413, %mul3A_414 : i32
      %add3A_416 = arith.constant 0 : i32
      %add3A_417 = arith.addi %mul3A_415, %add3A_416 : i32
      %mul3A_418 = arith.constant 80 : i32
      %mul3A_419 = arith.muli %add3A_417, %mul3A_418 : i32
      %add3A_420 = arith.addi %mul3A_2, %mul3A_419 : i32
      %dma_wait3A_421 = arith.constant 0 : i32
      %dma_wait3A_422 = arith.constant 0 : i32
      %dma_wait3A_423 = arith.constant 0 : i32
      %dma_wait3A_424 = tpu.memref_slice %arg6[%dma_wait3A_421, %dma_wait3A_422, %dma_wait3A_423] : memref<2x80x128xf32, #tpu.memory_space<vmem>> -> memref<1x80x128xf32, #tpu.memory_space<vmem>>
      %dma_wait3A_425 = tpu.memref_squeeze %dma_wait3A_424 : memref<1x80x128xf32, #tpu.memory_space<vmem>> -> memref<80x128xf32, #tpu.memory_space<vmem>>
      %dma_wait3A_426 = arith.constant 0 : i32
      %dma_wait3A_427 = tpu.memref_slice %arg4[%add3A_420, %dma_wait3A_426] : memref<204800x128xf32, #tpu.memory_space<hbm>> -> memref<80x128xf32, #tpu.memory_space<hbm>>
      %dma_wait3A_428 = arith.constant 0 : i32
      %dma_wait3A_429 = tpu.memref_slice %arg4[%add3A_420, %dma_wait3A_428] : memref<204800x128xf32, #tpu.memory_space<hbm>> -> memref<80x128xf32, #tpu.memory_space<hbm>>
      %dma_wait3A_430 = arith.constant 0 : i32
      %dma_wait3A_431 = arith.constant 0 : i32
      %dma_wait3A_432 = tpu.memref_slice %arg6[%dma_wait3A_421, %dma_wait3A_430, %dma_wait3A_431] : memref<2x80x128xf32, #tpu.memory_space<vmem>> -> memref<1x80x128xf32, #tpu.memory_space<vmem>>
      %dma_wait3A_433 = tpu.memref_squeeze %dma_wait3A_432 : memref<1x80x128xf32, #tpu.memory_space<vmem>> -> memref<80x128xf32, #tpu.memory_space<vmem>>
      tpu.wait_dma2 semaphore(%arg14 : memref<!tpu.dma_semaphore, #tpu.memory_space<semaphore_mem>>) src(%dma_wait3A_433 : memref<80x128xf32, #tpu.memory_space<vmem>>) dst(%dma_wait3A_429 : memref<80x128xf32, #tpu.memory_space<hbm>>)
      %mul3A_434 = arith.constant 2 : i32
      %mul3A_435 = arith.muli %sub3A_413, %mul3A_434 : i32
      %add3A_436 = arith.constant 1 : i32
      %add3A_437 = arith.addi %mul3A_435, %add3A_436 : i32
      %mul3A_438 = arith.constant 80 : i32
      %mul3A_439 = arith.muli %add3A_437, %mul3A_438 : i32
      %add3A_440 = arith.addi %mul3A_2, %mul3A_439 : i32
      %dma_wait3A_441 = arith.constant 1 : i32
      %dma_wait3A_442 = arith.constant 0 : i32
      %dma_wait3A_443 = arith.constant 0 : i32
      %dma_wait3A_444 = tpu.memref_slice %arg6[%dma_wait3A_441, %dma_wait3A_442, %dma_wait3A_443] : memref<2x80x128xf32, #tpu.memory_space<vmem>> -> memref<1x80x128xf32, #tpu.memory_space<vmem>>
      %dma_wait3A_445 = tpu.memref_squeeze %dma_wait3A_444 : memref<1x80x128xf32, #tpu.memory_space<vmem>> -> memref<80x128xf32, #tpu.memory_space<vmem>>
      %dma_wait3A_446 = arith.constant 0 : i32
      %dma_wait3A_447 = tpu.memref_slice %arg4[%add3A_440, %dma_wait3A_446] : memref<204800x128xf32, #tpu.memory_space<hbm>> -> memref<80x128xf32, #tpu.memory_space<hbm>>
      %dma_wait3A_448 = arith.constant 0 : i32
      %dma_wait3A_449 = tpu.memref_slice %arg4[%add3A_440, %dma_wait3A_448] : memref<204800x128xf32, #tpu.memory_space<hbm>> -> memref<80x128xf32, #tpu.memory_space<hbm>>
      %dma_wait3A_450 = arith.constant 0 : i32
      %dma_wait3A_451 = arith.constant 0 : i32
      %dma_wait3A_452 = tpu.memref_slice %arg6[%dma_wait3A_441, %dma_wait3A_450, %dma_wait3A_451] : memref<2x80x128xf32, #tpu.memory_space<vmem>> -> memref<1x80x128xf32, #tpu.memory_space<vmem>>
      %dma_wait3A_453 = tpu.memref_squeeze %dma_wait3A_452 : memref<1x80x128xf32, #tpu.memory_space<vmem>> -> memref<80x128xf32, #tpu.memory_space<vmem>>
      tpu.wait_dma2 semaphore(%arg14 : memref<!tpu.dma_semaphore, #tpu.memory_space<semaphore_mem>>) src(%dma_wait3A_453 : memref<80x128xf32, #tpu.memory_space<vmem>>) dst(%dma_wait3A_449 : memref<80x128xf32, #tpu.memory_space<hbm>>)
      %mul3A_454 = arith.constant 2 : i32
      %mul3A_455 = arith.muli %add3A_412, %mul3A_454 : i32
      %add3A_456 = arith.constant 0 : i32
      %add3A_457 = arith.addi %mul3A_455, %add3A_456 : i32
      %mul3A_458 = arith.constant 80 : i32
      %mul3A_459 = arith.muli %add3A_457, %mul3A_458 : i32
      %dma_start3A_460 = arith.constant 0 : i32
      %dma_start3A_461 = arith.constant 0 : i32
      %dma_start3A_462 = arith.constant 0 : i32
      %dma_start3A_463 = tpu.memref_slice %arg6[%dma_start3A_460, %dma_start3A_461, %dma_start3A_462] : memref<2x80x128xf32, #tpu.memory_space<vmem>> -> memref<1x80x128xf32, #tpu.memory_space<vmem>>
      %dma_start3A_464 = tpu.memref_squeeze %dma_start3A_463 : memref<1x80x128xf32, #tpu.memory_space<vmem>> -> memref<80x128xf32, #tpu.memory_space<vmem>>
      %dma_start3A_465 = tpu.memref_slice %arg5[%mul3A_459] : memref<6400xi32, #tpu.memory_space<vmem>> -> memref<80xi32, #tpu.memory_space<vmem>>
      %dma_start3A_466 = arith.constant 0 : i32
      %dma_start3A_467 = arith.constant 0 : i32
      %dma_start3A_468 = tpu.memref_slice %arg2[%dma_start3A_466, %dma_start3A_467] : memref<100000x128xf32, #tpu.memory_space<hbm>> -> memref<100000x128xf32, #tpu.memory_space<hbm>>
      tpu.enqueue_indirect_dma source(%dma_start3A_468 : memref<100000x128xf32, #tpu.memory_space<hbm>>) target(%dma_start3A_464 : memref<80x128xf32, #tpu.memory_space<vmem>>) offsets(%dma_start3A_465 : memref<80xi32, #tpu.memory_space<vmem>>) semaphore(%arg10 : memref<!tpu.dma_semaphore, #tpu.memory_space<semaphore_mem>>)
      %mul3A_469 = arith.constant 2 : i32
      %mul3A_470 = arith.muli %add3A_412, %mul3A_469 : i32
      %add3A_471 = arith.constant 1 : i32
      %add3A_472 = arith.addi %mul3A_470, %add3A_471 : i32
      %mul3A_473 = arith.constant 80 : i32
      %mul3A_474 = arith.muli %add3A_472, %mul3A_473 : i32
      %dma_start3A_475 = arith.constant 1 : i32
      %dma_start3A_476 = arith.constant 0 : i32
      %dma_start3A_477 = arith.constant 0 : i32
      %dma_start3A_478 = tpu.memref_slice %arg6[%dma_start3A_475, %dma_start3A_476, %dma_start3A_477] : memref<2x80x128xf32, #tpu.memory_space<vmem>> -> memref<1x80x128xf32, #tpu.memory_space<vmem>>
      %dma_start3A_479 = tpu.memref_squeeze %dma_start3A_478 : memref<1x80x128xf32, #tpu.memory_space<vmem>> -> memref<80x128xf32, #tpu.memory_space<vmem>>
      %dma_start3A_480 = tpu.memref_slice %arg5[%mul3A_474] : memref<6400xi32, #tpu.memory_space<vmem>> -> memref<80xi32, #tpu.memory_space<vmem>>
      %dma_start3A_481 = arith.constant 0 : i32
      %dma_start3A_482 = arith.constant 0 : i32
      %dma_start3A_483 = tpu.memref_slice %arg2[%dma_start3A_481, %dma_start3A_482] : memref<100000x128xf32, #tpu.memory_space<hbm>> -> memref<100000x128xf32, #tpu.memory_space<hbm>>
      tpu.enqueue_indirect_dma source(%dma_start3A_483 : memref<100000x128xf32, #tpu.memory_space<hbm>>) target(%dma_start3A_479 : memref<80x128xf32, #tpu.memory_space<vmem>>) offsets(%dma_start3A_480 : memref<80xi32, #tpu.memory_space<vmem>>) semaphore(%arg10 : memref<!tpu.dma_semaphore, #tpu.memory_space<semaphore_mem>>)
      %sub3A_484 = arith.constant 1 : i32
      %sub3A_485 = arith.subi %add3A_412, %sub3A_484 : i32
      %mul3A_486 = arith.constant 2 : i32
      %mul3A_487 = arith.muli %sub3A_485, %mul3A_486 : i32
      %add3A_488 = arith.constant 0 : i32
      %add3A_489 = arith.addi %mul3A_487, %add3A_488 : i32
      %mul3A_490 = arith.constant 80 : i32
      %mul3A_491 = arith.muli %add3A_489, %mul3A_490 : i32
      %dma_wait3A_492 = arith.constant 0 : i32
      %dma_wait3A_493 = arith.constant 0 : i32
      %dma_wait3A_494 = arith.constant 0 : i32
      %dma_wait3A_495 = tpu.memref_slice %arg9[%dma_wait3A_492, %dma_wait3A_493, %dma_wait3A_494] : memref<2x80x128xf32, #tpu.memory_space<vmem>> -> memref<1x80x128xf32, #tpu.memory_space<vmem>>
      %dma_wait3A_496 = tpu.memref_squeeze %dma_wait3A_495 : memref<1x80x128xf32, #tpu.memory_space<vmem>> -> memref<80x128xf32, #tpu.memory_space<vmem>>
      %dma_wait3A_497 = tpu.memref_slice %arg5[%mul3A_491] : memref<6400xi32, #tpu.memory_space<vmem>> -> memref<80xi32, #tpu.memory_space<vmem>>
      %dma_wait3A_498 = arith.constant 0 : i32
      %dma_wait3A_499 = arith.constant 0 : i32
      %dma_wait3A_500 = tpu.memref_slice %arg2[%dma_wait3A_498, %dma_wait3A_499] : memref<100000x128xf32, #tpu.memory_space<hbm>> -> memref<100000x128xf32, #tpu.memory_space<hbm>>
      tpu.wait_indirect_dma semaphore(%arg13 : memref<!tpu.dma_semaphore, #tpu.memory_space<semaphore_mem>>) src(%dma_wait3A_500 : memref<100000x128xf32, #tpu.memory_space<hbm>>) dst(%dma_wait3A_496 : memref<80x128xf32, #tpu.memory_space<vmem>>)
      %mul3A_501 = arith.constant 2 : i32
      %mul3A_502 = arith.muli %sub3A_485, %mul3A_501 : i32
      %add3A_503 = arith.constant 1 : i32
      %add3A_504 = arith.addi %mul3A_502, %add3A_503 : i32
      %mul3A_505 = arith.constant 80 : i32
      %mul3A_506 = arith.muli %add3A_504, %mul3A_505 : i32
      %dma_wait3A_507 = arith.constant 1 : i32
      %dma_wait3A_508 = arith.constant 0 : i32
      %dma_wait3A_509 = arith.constant 0 : i32
      %dma_wait3A_510 = tpu.memref_slice %arg9[%dma_wait3A_507, %dma_wait3A_508, %dma_wait3A_509] : memref<2x80x128xf32, #tpu.memory_space<vmem>> -> memref<1x80x128xf32, #tpu.memory_space<vmem>>
      %dma_wait3A_511 = tpu.memref_squeeze %dma_wait3A_510 : memref<1x80x128xf32, #tpu.memory_space<vmem>> -> memref<80x128xf32, #tpu.memory_space<vmem>>
      %dma_wait3A_512 = tpu.memref_slice %arg5[%mul3A_506] : memref<6400xi32, #tpu.memory_space<vmem>> -> memref<80xi32, #tpu.memory_space<vmem>>
      %dma_wait3A_513 = arith.constant 0 : i32
      %dma_wait3A_514 = arith.constant 0 : i32
      %dma_wait3A_515 = tpu.memref_slice %arg2[%dma_wait3A_513, %dma_wait3A_514] : memref<100000x128xf32, #tpu.memory_space<hbm>> -> memref<100000x128xf32, #tpu.memory_space<hbm>>
      tpu.wait_indirect_dma semaphore(%arg13 : memref<!tpu.dma_semaphore, #tpu.memory_space<semaphore_mem>>) src(%dma_wait3A_515 : memref<100000x128xf32, #tpu.memory_space<hbm>>) dst(%dma_wait3A_511 : memref<80x128xf32, #tpu.memory_space<vmem>>)
      %sub3A_516 = arith.constant 1 : i32
      %sub3A_517 = arith.subi %add3A_412, %sub3A_516 : i32
      %mul3A_518 = arith.constant 2 : i32
      %mul3A_519 = arith.muli %sub3A_517, %mul3A_518 : i32
      %add3A_520 = arith.constant 0 : i32
      %add3A_521 = arith.addi %mul3A_519, %add3A_520 : i32
      %mul3A_522 = arith.constant 80 : i32
      %mul3A_523 = arith.muli %add3A_521, %mul3A_522 : i32
      %add3A_524 = arith.addi %mul3A_2, %mul3A_523 : i32
      %dma_start3A_525 = arith.constant 0 : i32
      %dma_start3A_526 = arith.constant 0 : i32
      %dma_start3A_527 = arith.constant 0 : i32
      %dma_start3A_528 = tpu.memref_slice %arg9[%dma_start3A_525, %dma_start3A_526, %dma_start3A_527] : memref<2x80x128xf32, #tpu.memory_space<vmem>> -> memref<1x80x128xf32, #tpu.memory_space<vmem>>
      %dma_start3A_529 = tpu.memref_squeeze %dma_start3A_528 : memref<1x80x128xf32, #tpu.memory_space<vmem>> -> memref<80x128xf32, #tpu.memory_space<vmem>>
      %dma_start3A_530 = arith.constant 0 : i32
      %dma_start3A_531 = tpu.memref_slice %arg4[%add3A_524, %dma_start3A_530] : memref<204800x128xf32, #tpu.memory_space<hbm>> -> memref<80x128xf32, #tpu.memory_space<hbm>>
      %dma_start3A_532 = arith.constant 0 : i32
      %dma_start3A_533 = tpu.memref_slice %arg4[%add3A_524, %dma_start3A_532] : memref<204800x128xf32, #tpu.memory_space<hbm>> -> memref<80x128xf32, #tpu.memory_space<hbm>>
      %dma_start3A_534 = arith.constant 0 : i32
      %dma_start3A_535 = arith.constant 0 : i32
      %dma_start3A_536 = tpu.memref_slice %arg9[%dma_start3A_525, %dma_start3A_534, %dma_start3A_535] : memref<2x80x128xf32, #tpu.memory_space<vmem>> -> memref<1x80x128xf32, #tpu.memory_space<vmem>>
      %dma_start3A_537 = tpu.memref_squeeze %dma_start3A_536 : memref<1x80x128xf32, #tpu.memory_space<vmem>> -> memref<80x128xf32, #tpu.memory_space<vmem>>
      tpu.enqueue_dma source(%dma_start3A_537 : memref<80x128xf32, #tpu.memory_space<vmem>>) target(%dma_start3A_533 : memref<80x128xf32, #tpu.memory_space<hbm>>) target_semaphore(%arg17 : memref<!tpu.dma_semaphore, #tpu.memory_space<semaphore_mem>>)
      %mul3A_538 = arith.constant 2 : i32
      %mul3A_539 = arith.muli %sub3A_517, %mul3A_538 : i32
      %add3A_540 = arith.constant 1 : i32
      %add3A_541 = arith.addi %mul3A_539, %add3A_540 : i32
      %mul3A_542 = arith.constant 80 : i32
      %mul3A_543 = arith.muli %add3A_541, %mul3A_542 : i32
      %add3A_544 = arith.addi %mul3A_2, %mul3A_543 : i32
      %dma_start3A_545 = arith.constant 1 : i32
      %dma_start3A_546 = arith.constant 0 : i32
      %dma_start3A_547 = arith.constant 0 : i32
      %dma_start3A_548 = tpu.memref_slice %arg9[%dma_start3A_545, %dma_start3A_546, %dma_start3A_547] : memref<2x80x128xf32, #tpu.memory_space<vmem>> -> memref<1x80x128xf32, #tpu.memory_space<vmem>>
      %dma_start3A_549 = tpu.memref_squeeze %dma_start3A_548 : memref<1x80x128xf32, #tpu.memory_space<vmem>> -> memref<80x128xf32, #tpu.memory_space<vmem>>
      %dma_start3A_550 = arith.constant 0 : i32
      %dma_start3A_551 = tpu.memref_slice %arg4[%add3A_544, %dma_start3A_550] : memref<204800x128xf32, #tpu.memory_space<hbm>> -> memref<80x128xf32, #tpu.memory_space<hbm>>
      %dma_start3A_552 = arith.constant 0 : i32
      %dma_start3A_553 = tpu.memref_slice %arg4[%add3A_544, %dma_start3A_552] : memref<204800x128xf32, #tpu.memory_space<hbm>> -> memref<80x128xf32, #tpu.memory_space<hbm>>
      %dma_start3A_554 = arith.constant 0 : i32
      %dma_start3A_555 = arith.constant 0 : i32
      %dma_start3A_556 = tpu.memref_slice %arg9[%dma_start3A_545, %dma_start3A_554, %dma_start3A_555] : memref<2x80x128xf32, #tpu.memory_space<vmem>> -> memref<1x80x128xf32, #tpu.memory_space<vmem>>
      %dma_start3A_557 = tpu.memref_squeeze %dma_start3A_556 : memref<1x80x128xf32, #tpu.memory_space<vmem>> -> memref<80x128xf32, #tpu.memory_space<vmem>>
      tpu.enqueue_dma source(%dma_start3A_557 : memref<80x128xf32, #tpu.memory_space<vmem>>) target(%dma_start3A_553 : memref<80x128xf32, #tpu.memory_space<hbm>>) target_semaphore(%arg17 : memref<!tpu.dma_semaphore, #tpu.memory_space<semaphore_mem>>)
      %add3A_558 = arith.constant 1 : i32
      %add3A_559 = arith.addi %mul3A_410, %add3A_558 : i32
      %sub3A_560 = arith.constant 4 : i32
      %sub3A_561 = arith.subi %add3A_559, %sub3A_560 : i32
      %mul3A_562 = arith.constant 2 : i32
      %mul3A_563 = arith.muli %sub3A_561, %mul3A_562 : i32
      %add3A_564 = arith.constant 0 : i32
      %add3A_565 = arith.addi %mul3A_563, %add3A_564 : i32
      %mul3A_566 = arith.constant 80 : i32
      %mul3A_567 = arith.muli %add3A_565, %mul3A_566 : i32
      %add3A_568 = arith.addi %mul3A_2, %mul3A_567 : i32
      %dma_wait3A_569 = arith.constant 0 : i32
      %dma_wait3A_570 = arith.constant 0 : i32
      %dma_wait3A_571 = arith.constant 0 : i32
      %dma_wait3A_572 = tpu.memref_slice %arg7[%dma_wait3A_569, %dma_wait3A_570, %dma_wait3A_571] : memref<2x80x128xf32, #tpu.memory_space<vmem>> -> memref<1x80x128xf32, #tpu.memory_space<vmem>>
      %dma_wait3A_573 = tpu.memref_squeeze %dma_wait3A_572 : memref<1x80x128xf32, #tpu.memory_space<vmem>> -> memref<80x128xf32, #tpu.memory_space<vmem>>
      %dma_wait3A_574 = arith.constant 0 : i32
      %dma_wait3A_575 = tpu.memref_slice %arg4[%add3A_568, %dma_wait3A_574] : memref<204800x128xf32, #tpu.memory_space<hbm>> -> memref<80x128xf32, #tpu.memory_space<hbm>>
      %dma_wait3A_576 = arith.constant 0 : i32
      %dma_wait3A_577 = tpu.memref_slice %arg4[%add3A_568, %dma_wait3A_576] : memref<204800x128xf32, #tpu.memory_space<hbm>> -> memref<80x128xf32, #tpu.memory_space<hbm>>
      %dma_wait3A_578 = arith.constant 0 : i32
      %dma_wait3A_579 = arith.constant 0 : i32
      %dma_wait3A_580 = tpu.memref_slice %arg7[%dma_wait3A_569, %dma_wait3A_578, %dma_wait3A_579] : memref<2x80x128xf32, #tpu.memory_space<vmem>> -> memref<1x80x128xf32, #tpu.memory_space<vmem>>
      %dma_wait3A_581 = tpu.memref_squeeze %dma_wait3A_580 : memref<1x80x128xf32, #tpu.memory_space<vmem>> -> memref<80x128xf32, #tpu.memory_space<vmem>>
      tpu.wait_dma2 semaphore(%arg15 : memref<!tpu.dma_semaphore, #tpu.memory_space<semaphore_mem>>) src(%dma_wait3A_581 : memref<80x128xf32, #tpu.memory_space<vmem>>) dst(%dma_wait3A_577 : memref<80x128xf32, #tpu.memory_space<hbm>>)
      %mul3A_582 = arith.constant 2 : i32
      %mul3A_583 = arith.muli %sub3A_561, %mul3A_582 : i32
      %add3A_584 = arith.constant 1 : i32
      %add3A_585 = arith.addi %mul3A_583, %add3A_584 : i32
      %mul3A_586 = arith.constant 80 : i32
      %mul3A_587 = arith.muli %add3A_585, %mul3A_586 : i32
      %add3A_588 = arith.addi %mul3A_2, %mul3A_587 : i32
      %dma_wait3A_589 = arith.constant 1 : i32
      %dma_wait3A_590 = arith.constant 0 : i32
      %dma_wait3A_591 = arith.constant 0 : i32
      %dma_wait3A_592 = tpu.memref_slice %arg7[%dma_wait3A_589, %dma_wait3A_590, %dma_wait3A_591] : memref<2x80x128xf32, #tpu.memory_space<vmem>> -> memref<1x80x128xf32, #tpu.memory_space<vmem>>
      %dma_wait3A_593 = tpu.memref_squeeze %dma_wait3A_592 : memref<1x80x128xf32, #tpu.memory_space<vmem>> -> memref<80x128xf32, #tpu.memory_space<vmem>>
      %dma_wait3A_594 = arith.constant 0 : i32
      %dma_wait3A_595 = tpu.memref_slice %arg4[%add3A_588, %dma_wait3A_594] : memref<204800x128xf32, #tpu.memory_space<hbm>> -> memref<80x128xf32, #tpu.memory_space<hbm>>
      %dma_wait3A_596 = arith.constant 0 : i32
      %dma_wait3A_597 = tpu.memref_slice %arg4[%add3A_588, %dma_wait3A_596] : memref<204800x128xf32, #tpu.memory_space<hbm>> -> memref<80x128xf32, #tpu.memory_space<hbm>>
      %dma_wait3A_598 = arith.constant 0 : i32
      %dma_wait3A_599 = arith.constant 0 : i32
      %dma_wait3A_600 = tpu.memref_slice %arg7[%dma_wait3A_589, %dma_wait3A_598, %dma_wait3A_599] : memref<2x80x128xf32, #tpu.memory_space<vmem>> -> memref<1x80x128xf32, #tpu.memory_space<vmem>>
      %dma_wait3A_601 = tpu.memref_squeeze %dma_wait3A_600 : memref<1x80x128xf32, #tpu.memory_space<vmem>> -> memref<80x128xf32, #tpu.memory_space<vmem>>
      tpu.wait_dma2 semaphore(%arg15 : memref<!tpu.dma_semaphore, #tpu.memory_space<semaphore_mem>>) src(%dma_wait3A_601 : memref<80x128xf32, #tpu.memory_space<vmem>>) dst(%dma_wait3A_597 : memref<80x128xf32, #tpu.memory_space<hbm>>)
      %mul3A_602 = arith.constant 2 : i32
      %mul3A_603 = arith.muli %add3A_559, %mul3A_602 : i32
      %add3A_604 = arith.constant 0 : i32
      %add3A_605 = arith.addi %mul3A_603, %add3A_604 : i32
      %mul3A_606 = arith.constant 80 : i32
      %mul3A_607 = arith.muli %add3A_605, %mul3A_606 : i32
      %dma_start3A_608 = arith.constant 0 : i32
      %dma_start3A_609 = arith.constant 0 : i32
      %dma_start3A_610 = arith.constant 0 : i32
      %dma_start3A_611 = tpu.memref_slice %arg7[%dma_start3A_608, %dma_start3A_609, %dma_start3A_610] : memref<2x80x128xf32, #tpu.memory_space<vmem>> -> memref<1x80x128xf32, #tpu.memory_space<vmem>>
      %dma_start3A_612 = tpu.memref_squeeze %dma_start3A_611 : memref<1x80x128xf32, #tpu.memory_space<vmem>> -> memref<80x128xf32, #tpu.memory_space<vmem>>
      %dma_start3A_613 = tpu.memref_slice %arg5[%mul3A_607] : memref<6400xi32, #tpu.memory_space<vmem>> -> memref<80xi32, #tpu.memory_space<vmem>>
      %dma_start3A_614 = arith.constant 0 : i32
      %dma_start3A_615 = arith.constant 0 : i32
      %dma_start3A_616 = tpu.memref_slice %arg2[%dma_start3A_614, %dma_start3A_615] : memref<100000x128xf32, #tpu.memory_space<hbm>> -> memref<100000x128xf32, #tpu.memory_space<hbm>>
      tpu.enqueue_indirect_dma source(%dma_start3A_616 : memref<100000x128xf32, #tpu.memory_space<hbm>>) target(%dma_start3A_612 : memref<80x128xf32, #tpu.memory_space<vmem>>) offsets(%dma_start3A_613 : memref<80xi32, #tpu.memory_space<vmem>>) semaphore(%arg11 : memref<!tpu.dma_semaphore, #tpu.memory_space<semaphore_mem>>)
      %mul3A_617 = arith.constant 2 : i32
      %mul3A_618 = arith.muli %add3A_559, %mul3A_617 : i32
      %add3A_619 = arith.constant 1 : i32
      %add3A_620 = arith.addi %mul3A_618, %add3A_619 : i32
      %mul3A_621 = arith.constant 80 : i32
      %mul3A_622 = arith.muli %add3A_620, %mul3A_621 : i32
      %dma_start3A_623 = arith.constant 1 : i32
      %dma_start3A_624 = arith.constant 0 : i32
      %dma_start3A_625 = arith.constant 0 : i32
      %dma_start3A_626 = tpu.memref_slice %arg7[%dma_start3A_623, %dma_start3A_624, %dma_start3A_625] : memref<2x80x128xf32, #tpu.memory_space<vmem>> -> memref<1x80x128xf32, #tpu.memory_space<vmem>>
      %dma_start3A_627 = tpu.memref_squeeze %dma_start3A_626 : memref<1x80x128xf32, #tpu.memory_space<vmem>> -> memref<80x128xf32, #tpu.memory_space<vmem>>
      %dma_start3A_628 = tpu.memref_slice %arg5[%mul3A_622] : memref<6400xi32, #tpu.memory_space<vmem>> -> memref<80xi32, #tpu.memory_space<vmem>>
      %dma_start3A_629 = arith.constant 0 : i32
      %dma_start3A_630 = arith.constant 0 : i32
      %dma_start3A_631 = tpu.memref_slice %arg2[%dma_start3A_629, %dma_start3A_630] : memref<100000x128xf32, #tpu.memory_space<hbm>> -> memref<100000x128xf32, #tpu.memory_space<hbm>>
      tpu.enqueue_indirect_dma source(%dma_start3A_631 : memref<100000x128xf32, #tpu.memory_space<hbm>>) target(%dma_start3A_627 : memref<80x128xf32, #tpu.memory_space<vmem>>) offsets(%dma_start3A_628 : memref<80xi32, #tpu.memory_space<vmem>>) semaphore(%arg11 : memref<!tpu.dma_semaphore, #tpu.memory_space<semaphore_mem>>)
      %sub3A_632 = arith.constant 1 : i32
      %sub3A_633 = arith.subi %add3A_559, %sub3A_632 : i32
      %mul3A_634 = arith.constant 2 : i32
      %mul3A_635 = arith.muli %sub3A_633, %mul3A_634 : i32
      %add3A_636 = arith.constant 0 : i32
      %add3A_637 = arith.addi %mul3A_635, %add3A_636 : i32
      %mul3A_638 = arith.constant 80 : i32
      %mul3A_639 = arith.muli %add3A_637, %mul3A_638 : i32
      %dma_wait3A_640 = arith.constant 0 : i32
      %dma_wait3A_641 = arith.constant 0 : i32
      %dma_wait3A_642 = arith.constant 0 : i32
      %dma_wait3A_643 = tpu.memref_slice %arg6[%dma_wait3A_640, %dma_wait3A_641, %dma_wait3A_642] : memref<2x80x128xf32, #tpu.memory_space<vmem>> -> memref<1x80x128xf32, #tpu.memory_space<vmem>>
      %dma_wait3A_644 = tpu.memref_squeeze %dma_wait3A_643 : memref<1x80x128xf32, #tpu.memory_space<vmem>> -> memref<80x128xf32, #tpu.memory_space<vmem>>
      %dma_wait3A_645 = tpu.memref_slice %arg5[%mul3A_639] : memref<6400xi32, #tpu.memory_space<vmem>> -> memref<80xi32, #tpu.memory_space<vmem>>
      %dma_wait3A_646 = arith.constant 0 : i32
      %dma_wait3A_647 = arith.constant 0 : i32
      %dma_wait3A_648 = tpu.memref_slice %arg2[%dma_wait3A_646, %dma_wait3A_647] : memref<100000x128xf32, #tpu.memory_space<hbm>> -> memref<100000x128xf32, #tpu.memory_space<hbm>>
      tpu.wait_indirect_dma semaphore(%arg10 : memref<!tpu.dma_semaphore, #tpu.memory_space<semaphore_mem>>) src(%dma_wait3A_648 : memref<100000x128xf32, #tpu.memory_space<hbm>>) dst(%dma_wait3A_644 : memref<80x128xf32, #tpu.memory_space<vmem>>)
      %mul3A_649 = arith.constant 2 : i32
      %mul3A_650 = arith.muli %sub3A_633, %mul3A_649 : i32
      %add3A_651 = arith.constant 1 : i32
      %add3A_652 = arith.addi %mul3A_650, %add3A_651 : i32
      %mul3A_653 = arith.constant 80 : i32
      %mul3A_654 = arith.muli %add3A_652, %mul3A_653 : i32
      %dma_wait3A_655 = arith.constant 1 : i32
      %dma_wait3A_656 = arith.constant 0 : i32
      %dma_wait3A_657 = arith.constant 0 : i32
      %dma_wait3A_658 = tpu.memref_slice %arg6[%dma_wait3A_655, %dma_wait3A_656, %dma_wait3A_657] : memref<2x80x128xf32, #tpu.memory_space<vmem>> -> memref<1x80x128xf32, #tpu.memory_space<vmem>>
      %dma_wait3A_659 = tpu.memref_squeeze %dma_wait3A_658 : memref<1x80x128xf32, #tpu.memory_space<vmem>> -> memref<80x128xf32, #tpu.memory_space<vmem>>
      %dma_wait3A_660 = tpu.memref_slice %arg5[%mul3A_654] : memref<6400xi32, #tpu.memory_space<vmem>> -> memref<80xi32, #tpu.memory_space<vmem>>
      %dma_wait3A_661 = arith.constant 0 : i32
      %dma_wait3A_662 = arith.constant 0 : i32
      %dma_wait3A_663 = tpu.memref_slice %arg2[%dma_wait3A_661, %dma_wait3A_662] : memref<100000x128xf32, #tpu.memory_space<hbm>> -> memref<100000x128xf32, #tpu.memory_space<hbm>>
      tpu.wait_indirect_dma semaphore(%arg10 : memref<!tpu.dma_semaphore, #tpu.memory_space<semaphore_mem>>) src(%dma_wait3A_663 : memref<100000x128xf32, #tpu.memory_space<hbm>>) dst(%dma_wait3A_659 : memref<80x128xf32, #tpu.memory_space<vmem>>)
      %sub3A_664 = arith.constant 1 : i32
      %sub3A_665 = arith.subi %add3A_559, %sub3A_664 : i32
      %mul3A_666 = arith.constant 2 : i32
      %mul3A_667 = arith.muli %sub3A_665, %mul3A_666 : i32
      %add3A_668 = arith.constant 0 : i32
      %add3A_669 = arith.addi %mul3A_667, %add3A_668 : i32
      %mul3A_670 = arith.constant 80 : i32
      %mul3A_671 = arith.muli %add3A_669, %mul3A_670 : i32
      %add3A_672 = arith.addi %mul3A_2, %mul3A_671 : i32
      %dma_start3A_673 = arith.constant 0 : i32
      %dma_start3A_674 = arith.constant 0 : i32
      %dma_start3A_675 = arith.constant 0 : i32
      %dma_start3A_676 = tpu.memref_slice %arg6[%dma_start3A_673, %dma_start3A_674, %dma_start3A_675] : memref<2x80x128xf32, #tpu.memory_space<vmem>> -> memref<1x80x128xf32, #tpu.memory_space<vmem>>
      %dma_start3A_677 = tpu.memref_squeeze %dma_start3A_676 : memref<1x80x128xf32, #tpu.memory_space<vmem>> -> memref<80x128xf32, #tpu.memory_space<vmem>>
      %dma_start3A_678 = arith.constant 0 : i32
      %dma_start3A_679 = tpu.memref_slice %arg4[%add3A_672, %dma_start3A_678] : memref<204800x128xf32, #tpu.memory_space<hbm>> -> memref<80x128xf32, #tpu.memory_space<hbm>>
      %dma_start3A_680 = arith.constant 0 : i32
      %dma_start3A_681 = tpu.memref_slice %arg4[%add3A_672, %dma_start3A_680] : memref<204800x128xf32, #tpu.memory_space<hbm>> -> memref<80x128xf32, #tpu.memory_space<hbm>>
      %dma_start3A_682 = arith.constant 0 : i32
      %dma_start3A_683 = arith.constant 0 : i32
      %dma_start3A_684 = tpu.memref_slice %arg6[%dma_start3A_673, %dma_start3A_682, %dma_start3A_683] : memref<2x80x128xf32, #tpu.memory_space<vmem>> -> memref<1x80x128xf32, #tpu.memory_space<vmem>>
      %dma_start3A_685 = tpu.memref_squeeze %dma_start3A_684 : memref<1x80x128xf32, #tpu.memory_space<vmem>> -> memref<80x128xf32, #tpu.memory_space<vmem>>
      tpu.enqueue_dma source(%dma_start3A_685 : memref<80x128xf32, #tpu.memory_space<vmem>>) target(%dma_start3A_681 : memref<80x128xf32, #tpu.memory_space<hbm>>) target_semaphore(%arg14 : memref<!tpu.dma_semaphore, #tpu.memory_space<semaphore_mem>>)
      %mul3A_686 = arith.constant 2 : i32
      %mul3A_687 = arith.muli %sub3A_665, %mul3A_686 : i32
      %add3A_688 = arith.constant 1 : i32
      %add3A_689 = arith.addi %mul3A_687, %add3A_688 : i32
      %mul3A_690 = arith.constant 80 : i32
      %mul3A_691 = arith.muli %add3A_689, %mul3A_690 : i32
      %add3A_692 = arith.addi %mul3A_2, %mul3A_691 : i32
      %dma_start3A_693 = arith.constant 1 : i32
      %dma_start3A_694 = arith.constant 0 : i32
      %dma_start3A_695 = arith.constant 0 : i32
      %dma_start3A_696 = tpu.memref_slice %arg6[%dma_start3A_693, %dma_start3A_694, %dma_start3A_695] : memref<2x80x128xf32, #tpu.memory_space<vmem>> -> memref<1x80x128xf32, #tpu.memory_space<vmem>>
      %dma_start3A_697 = tpu.memref_squeeze %dma_start3A_696 : memref<1x80x128xf32, #tpu.memory_space<vmem>> -> memref<80x128xf32, #tpu.memory_space<vmem>>
      %dma_start3A_698 = arith.constant 0 : i32
      %dma_start3A_699 = tpu.memref_slice %arg4[%add3A_692, %dma_start3A_698] : memref<204800x128xf32, #tpu.memory_space<hbm>> -> memref<80x128xf32, #tpu.memory_space<hbm>>
      %dma_start3A_700 = arith.constant 0 : i32
      %dma_start3A_701 = tpu.memref_slice %arg4[%add3A_692, %dma_start3A_700] : memref<204800x128xf32, #tpu.memory_space<hbm>> -> memref<80x128xf32, #tpu.memory_space<hbm>>
      %dma_start3A_702 = arith.constant 0 : i32
      %dma_start3A_703 = arith.constant 0 : i32
      %dma_start3A_704 = tpu.memref_slice %arg6[%dma_start3A_693, %dma_start3A_702, %dma_start3A_703] : memref<2x80x128xf32, #tpu.memory_space<vmem>> -> memref<1x80x128xf32, #tpu.memory_space<vmem>>
      %dma_start3A_705 = tpu.memref_squeeze %dma_start3A_704 : memref<1x80x128xf32, #tpu.memory_space<vmem>> -> memref<80x128xf32, #tpu.memory_space<vmem>>
      tpu.enqueue_dma source(%dma_start3A_705 : memref<80x128xf32, #tpu.memory_space<vmem>>) target(%dma_start3A_701 : memref<80x128xf32, #tpu.memory_space<hbm>>) target_semaphore(%arg14 : memref<!tpu.dma_semaphore, #tpu.memory_space<semaphore_mem>>)
      %add3A_706 = arith.constant 2 : i32
      %add3A_707 = arith.addi %mul3A_410, %add3A_706 : i32
      %sub3A_708 = arith.constant 4 : i32
      %sub3A_709 = arith.subi %add3A_707, %sub3A_708 : i32
      %mul3A_710 = arith.constant 2 : i32
      %mul3A_711 = arith.muli %sub3A_709, %mul3A_710 : i32
      %add3A_712 = arith.constant 0 : i32
      %add3A_713 = arith.addi %mul3A_711, %add3A_712 : i32
      %mul3A_714 = arith.constant 80 : i32
      %mul3A_715 = arith.muli %add3A_713, %mul3A_714 : i32
      %add3A_716 = arith.addi %mul3A_2, %mul3A_715 : i32
      %dma_wait3A_717 = arith.constant 0 : i32
      %dma_wait3A_718 = arith.constant 0 : i32
      %dma_wait3A_719 = arith.constant 0 : i32
      %dma_wait3A_720 = tpu.memref_slice %arg8[%dma_wait3A_717, %dma_wait3A_718, %dma_wait3A_719] : memref<2x80x128xf32, #tpu.memory_space<vmem>> -> memref<1x80x128xf32, #tpu.memory_space<vmem>>
      %dma_wait3A_721 = tpu.memref_squeeze %dma_wait3A_720 : memref<1x80x128xf32, #tpu.memory_space<vmem>> -> memref<80x128xf32, #tpu.memory_space<vmem>>
      %dma_wait3A_722 = arith.constant 0 : i32
      %dma_wait3A_723 = tpu.memref_slice %arg4[%add3A_716, %dma_wait3A_722] : memref<204800x128xf32, #tpu.memory_space<hbm>> -> memref<80x128xf32, #tpu.memory_space<hbm>>
      %dma_wait3A_724 = arith.constant 0 : i32
      %dma_wait3A_725 = tpu.memref_slice %arg4[%add3A_716, %dma_wait3A_724] : memref<204800x128xf32, #tpu.memory_space<hbm>> -> memref<80x128xf32, #tpu.memory_space<hbm>>
      %dma_wait3A_726 = arith.constant 0 : i32
      %dma_wait3A_727 = arith.constant 0 : i32
      %dma_wait3A_728 = tpu.memref_slice %arg8[%dma_wait3A_717, %dma_wait3A_726, %dma_wait3A_727] : memref<2x80x128xf32, #tpu.memory_space<vmem>> -> memref<1x80x128xf32, #tpu.memory_space<vmem>>
      %dma_wait3A_729 = tpu.memref_squeeze %dma_wait3A_728 : memref<1x80x128xf32, #tpu.memory_space<vmem>> -> memref<80x128xf32, #tpu.memory_space<vmem>>
      tpu.wait_dma2 semaphore(%arg16 : memref<!tpu.dma_semaphore, #tpu.memory_space<semaphore_mem>>) src(%dma_wait3A_729 : memref<80x128xf32, #tpu.memory_space<vmem>>) dst(%dma_wait3A_725 : memref<80x128xf32, #tpu.memory_space<hbm>>)
      %mul3A_730 = arith.constant 2 : i32
      %mul3A_731 = arith.muli %sub3A_709, %mul3A_730 : i32
      %add3A_732 = arith.constant 1 : i32
      %add3A_733 = arith.addi %mul3A_731, %add3A_732 : i32
      %mul3A_734 = arith.constant 80 : i32
      %mul3A_735 = arith.muli %add3A_733, %mul3A_734 : i32
      %add3A_736 = arith.addi %mul3A_2, %mul3A_735 : i32
      %dma_wait3A_737 = arith.constant 1 : i32
      %dma_wait3A_738 = arith.constant 0 : i32
      %dma_wait3A_739 = arith.constant 0 : i32
      %dma_wait3A_740 = tpu.memref_slice %arg8[%dma_wait3A_737, %dma_wait3A_738, %dma_wait3A_739] : memref<2x80x128xf32, #tpu.memory_space<vmem>> -> memref<1x80x128xf32, #tpu.memory_space<vmem>>
      %dma_wait3A_741 = tpu.memref_squeeze %dma_wait3A_740 : memref<1x80x128xf32, #tpu.memory_space<vmem>> -> memref<80x128xf32, #tpu.memory_space<vmem>>
      %dma_wait3A_742 = arith.constant 0 : i32
      %dma_wait3A_743 = tpu.memref_slice %arg4[%add3A_736, %dma_wait3A_742] : memref<204800x128xf32, #tpu.memory_space<hbm>> -> memref<80x128xf32, #tpu.memory_space<hbm>>
      %dma_wait3A_744 = arith.constant 0 : i32
      %dma_wait3A_745 = tpu.memref_slice %arg4[%add3A_736, %dma_wait3A_744] : memref<204800x128xf32, #tpu.memory_space<hbm>> -> memref<80x128xf32, #tpu.memory_space<hbm>>
      %dma_wait3A_746 = arith.constant 0 : i32
      %dma_wait3A_747 = arith.constant 0 : i32
      %dma_wait3A_748 = tpu.memref_slice %arg8[%dma_wait3A_737, %dma_wait3A_746, %dma_wait3A_747] : memref<2x80x128xf32, #tpu.memory_space<vmem>> -> memref<1x80x128xf32, #tpu.memory_space<vmem>>
      %dma_wait3A_749 = tpu.memref_squeeze %dma_wait3A_748 : memref<1x80x128xf32, #tpu.memory_space<vmem>> -> memref<80x128xf32, #tpu.memory_space<vmem>>
      tpu.wait_dma2 semaphore(%arg16 : memref<!tpu.dma_semaphore, #tpu.memory_space<semaphore_mem>>) src(%dma_wait3A_749 : memref<80x128xf32, #tpu.memory_space<vmem>>) dst(%dma_wait3A_745 : memref<80x128xf32, #tpu.memory_space<hbm>>)
      %mul3A_750 = arith.constant 2 : i32
      %mul3A_751 = arith.muli %add3A_707, %mul3A_750 : i32
      %add3A_752 = arith.constant 0 : i32
      %add3A_753 = arith.addi %mul3A_751, %add3A_752 : i32
      %mul3A_754 = arith.constant 80 : i32
      %mul3A_755 = arith.muli %add3A_753, %mul3A_754 : i32
      %dma_start3A_756 = arith.constant 0 : i32
      %dma_start3A_757 = arith.constant 0 : i32
      %dma_start3A_758 = arith.constant 0 : i32
      %dma_start3A_759 = tpu.memref_slice %arg8[%dma_start3A_756, %dma_start3A_757, %dma_start3A_758] : memref<2x80x128xf32, #tpu.memory_space<vmem>> -> memref<1x80x128xf32, #tpu.memory_space<vmem>>
      %dma_start3A_760 = tpu.memref_squeeze %dma_start3A_759 : memref<1x80x128xf32, #tpu.memory_space<vmem>> -> memref<80x128xf32, #tpu.memory_space<vmem>>
      %dma_start3A_761 = tpu.memref_slice %arg5[%mul3A_755] : memref<6400xi32, #tpu.memory_space<vmem>> -> memref<80xi32, #tpu.memory_space<vmem>>
      %dma_start3A_762 = arith.constant 0 : i32
      %dma_start3A_763 = arith.constant 0 : i32
      %dma_start3A_764 = tpu.memref_slice %arg2[%dma_start3A_762, %dma_start3A_763] : memref<100000x128xf32, #tpu.memory_space<hbm>> -> memref<100000x128xf32, #tpu.memory_space<hbm>>
      tpu.enqueue_indirect_dma source(%dma_start3A_764 : memref<100000x128xf32, #tpu.memory_space<hbm>>) target(%dma_start3A_760 : memref<80x128xf32, #tpu.memory_space<vmem>>) offsets(%dma_start3A_761 : memref<80xi32, #tpu.memory_space<vmem>>) semaphore(%arg12 : memref<!tpu.dma_semaphore, #tpu.memory_space<semaphore_mem>>)
      %mul3A_765 = arith.constant 2 : i32
      %mul3A_766 = arith.muli %add3A_707, %mul3A_765 : i32
      %add3A_767 = arith.constant 1 : i32
      %add3A_768 = arith.addi %mul3A_766, %add3A_767 : i32
      %mul3A_769 = arith.constant 80 : i32
      %mul3A_770 = arith.muli %add3A_768, %mul3A_769 : i32
      %dma_start3A_771 = arith.constant 1 : i32
      %dma_start3A_772 = arith.constant 0 : i32
      %dma_start3A_773 = arith.constant 0 : i32
      %dma_start3A_774 = tpu.memref_slice %arg8[%dma_start3A_771, %dma_start3A_772, %dma_start3A_773] : memref<2x80x128xf32, #tpu.memory_space<vmem>> -> memref<1x80x128xf32, #tpu.memory_space<vmem>>
      %dma_start3A_775 = tpu.memref_squeeze %dma_start3A_774 : memref<1x80x128xf32, #tpu.memory_space<vmem>> -> memref<80x128xf32, #tpu.memory_space<vmem>>
      %dma_start3A_776 = tpu.memref_slice %arg5[%mul3A_770] : memref<6400xi32, #tpu.memory_space<vmem>> -> memref<80xi32, #tpu.memory_space<vmem>>
      %dma_start3A_777 = arith.constant 0 : i32
      %dma_start3A_778 = arith.constant 0 : i32
      %dma_start3A_779 = tpu.memref_slice %arg2[%dma_start3A_777, %dma_start3A_778] : memref<100000x128xf32, #tpu.memory_space<hbm>> -> memref<100000x128xf32, #tpu.memory_space<hbm>>
      tpu.enqueue_indirect_dma source(%dma_start3A_779 : memref<100000x128xf32, #tpu.memory_space<hbm>>) target(%dma_start3A_775 : memref<80x128xf32, #tpu.memory_space<vmem>>) offsets(%dma_start3A_776 : memref<80xi32, #tpu.memory_space<vmem>>) semaphore(%arg12 : memref<!tpu.dma_semaphore, #tpu.memory_space<semaphore_mem>>)
      %sub3A_780 = arith.constant 1 : i32
      %sub3A_781 = arith.subi %add3A_707, %sub3A_780 : i32
      %mul3A_782 = arith.constant 2 : i32
      %mul3A_783 = arith.muli %sub3A_781, %mul3A_782 : i32
      %add3A_784 = arith.constant 0 : i32
      %add3A_785 = arith.addi %mul3A_783, %add3A_784 : i32
      %mul3A_786 = arith.constant 80 : i32
      %mul3A_787 = arith.muli %add3A_785, %mul3A_786 : i32
      %dma_wait3A_788 = arith.constant 0 : i32
      %dma_wait3A_789 = arith.constant 0 : i32
      %dma_wait3A_790 = arith.constant 0 : i32
      %dma_wait3A_791 = tpu.memref_slice %arg7[%dma_wait3A_788, %dma_wait3A_789, %dma_wait3A_790] : memref<2x80x128xf32, #tpu.memory_space<vmem>> -> memref<1x80x128xf32, #tpu.memory_space<vmem>>
      %dma_wait3A_792 = tpu.memref_squeeze %dma_wait3A_791 : memref<1x80x128xf32, #tpu.memory_space<vmem>> -> memref<80x128xf32, #tpu.memory_space<vmem>>
      %dma_wait3A_793 = tpu.memref_slice %arg5[%mul3A_787] : memref<6400xi32, #tpu.memory_space<vmem>> -> memref<80xi32, #tpu.memory_space<vmem>>
      %dma_wait3A_794 = arith.constant 0 : i32
      %dma_wait3A_795 = arith.constant 0 : i32
      %dma_wait3A_796 = tpu.memref_slice %arg2[%dma_wait3A_794, %dma_wait3A_795] : memref<100000x128xf32, #tpu.memory_space<hbm>> -> memref<100000x128xf32, #tpu.memory_space<hbm>>
      tpu.wait_indirect_dma semaphore(%arg11 : memref<!tpu.dma_semaphore, #tpu.memory_space<semaphore_mem>>) src(%dma_wait3A_796 : memref<100000x128xf32, #tpu.memory_space<hbm>>) dst(%dma_wait3A_792 : memref<80x128xf32, #tpu.memory_space<vmem>>)
      %mul3A_797 = arith.constant 2 : i32
      %mul3A_798 = arith.muli %sub3A_781, %mul3A_797 : i32
      %add3A_799 = arith.constant 1 : i32
      %add3A_800 = arith.addi %mul3A_798, %add3A_799 : i32
      %mul3A_801 = arith.constant 80 : i32
      %mul3A_802 = arith.muli %add3A_800, %mul3A_801 : i32
      %dma_wait3A_803 = arith.constant 1 : i32
      %dma_wait3A_804 = arith.constant 0 : i32
      %dma_wait3A_805 = arith.constant 0 : i32
      %dma_wait3A_806 = tpu.memref_slice %arg7[%dma_wait3A_803, %dma_wait3A_804, %dma_wait3A_805] : memref<2x80x128xf32, #tpu.memory_space<vmem>> -> memref<1x80x128xf32, #tpu.memory_space<vmem>>
      %dma_wait3A_807 = tpu.memref_squeeze %dma_wait3A_806 : memref<1x80x128xf32, #tpu.memory_space<vmem>> -> memref<80x128xf32, #tpu.memory_space<vmem>>
      %dma_wait3A_808 = tpu.memref_slice %arg5[%mul3A_802] : memref<6400xi32, #tpu.memory_space<vmem>> -> memref<80xi32, #tpu.memory_space<vmem>>
      %dma_wait3A_809 = arith.constant 0 : i32
      %dma_wait3A_810 = arith.constant 0 : i32
      %dma_wait3A_811 = tpu.memref_slice %arg2[%dma_wait3A_809, %dma_wait3A_810] : memref<100000x128xf32, #tpu.memory_space<hbm>> -> memref<100000x128xf32, #tpu.memory_space<hbm>>
      tpu.wait_indirect_dma semaphore(%arg11 : memref<!tpu.dma_semaphore, #tpu.memory_space<semaphore_mem>>) src(%dma_wait3A_811 : memref<100000x128xf32, #tpu.memory_space<hbm>>) dst(%dma_wait3A_807 : memref<80x128xf32, #tpu.memory_space<vmem>>)
      %sub3A_812 = arith.constant 1 : i32
      %sub3A_813 = arith.subi %add3A_707, %sub3A_812 : i32
      %mul3A_814 = arith.constant 2 : i32
      %mul3A_815 = arith.muli %sub3A_813, %mul3A_814 : i32
      %add3A_816 = arith.constant 0 : i32
      %add3A_817 = arith.addi %mul3A_815, %add3A_816 : i32
      %mul3A_818 = arith.constant 80 : i32
      %mul3A_819 = arith.muli %add3A_817, %mul3A_818 : i32
      %add3A_820 = arith.addi %mul3A_2, %mul3A_819 : i32
      %dma_start3A_821 = arith.constant 0 : i32
      %dma_start3A_822 = arith.constant 0 : i32
      %dma_start3A_823 = arith.constant 0 : i32
      %dma_start3A_824 = tpu.memref_slice %arg7[%dma_start3A_821, %dma_start3A_822, %dma_start3A_823] : memref<2x80x128xf32, #tpu.memory_space<vmem>> -> memref<1x80x128xf32, #tpu.memory_space<vmem>>
      %dma_start3A_825 = tpu.memref_squeeze %dma_start3A_824 : memref<1x80x128xf32, #tpu.memory_space<vmem>> -> memref<80x128xf32, #tpu.memory_space<vmem>>
      %dma_start3A_826 = arith.constant 0 : i32
      %dma_start3A_827 = tpu.memref_slice %arg4[%add3A_820, %dma_start3A_826] : memref<204800x128xf32, #tpu.memory_space<hbm>> -> memref<80x128xf32, #tpu.memory_space<hbm>>
      %dma_start3A_828 = arith.constant 0 : i32
      %dma_start3A_829 = tpu.memref_slice %arg4[%add3A_820, %dma_start3A_828] : memref<204800x128xf32, #tpu.memory_space<hbm>> -> memref<80x128xf32, #tpu.memory_space<hbm>>
      %dma_start3A_830 = arith.constant 0 : i32
      %dma_start3A_831 = arith.constant 0 : i32
      %dma_start3A_832 = tpu.memref_slice %arg7[%dma_start3A_821, %dma_start3A_830, %dma_start3A_831] : memref<2x80x128xf32, #tpu.memory_space<vmem>> -> memref<1x80x128xf32, #tpu.memory_space<vmem>>
      %dma_start3A_833 = tpu.memref_squeeze %dma_start3A_832 : memref<1x80x128xf32, #tpu.memory_space<vmem>> -> memref<80x128xf32, #tpu.memory_space<vmem>>
      tpu.enqueue_dma source(%dma_start3A_833 : memref<80x128xf32, #tpu.memory_space<vmem>>) target(%dma_start3A_829 : memref<80x128xf32, #tpu.memory_space<hbm>>) target_semaphore(%arg15 : memref<!tpu.dma_semaphore, #tpu.memory_space<semaphore_mem>>)
      %mul3A_834 = arith.constant 2 : i32
      %mul3A_835 = arith.muli %sub3A_813, %mul3A_834 : i32
      %add3A_836 = arith.constant 1 : i32
      %add3A_837 = arith.addi %mul3A_835, %add3A_836 : i32
      %mul3A_838 = arith.constant 80 : i32
      %mul3A_839 = arith.muli %add3A_837, %mul3A_838 : i32
      %add3A_840 = arith.addi %mul3A_2, %mul3A_839 : i32
      %dma_start3A_841 = arith.constant 1 : i32
      %dma_start3A_842 = arith.constant 0 : i32
      %dma_start3A_843 = arith.constant 0 : i32
      %dma_start3A_844 = tpu.memref_slice %arg7[%dma_start3A_841, %dma_start3A_842, %dma_start3A_843] : memref<2x80x128xf32, #tpu.memory_space<vmem>> -> memref<1x80x128xf32, #tpu.memory_space<vmem>>
      %dma_start3A_845 = tpu.memref_squeeze %dma_start3A_844 : memref<1x80x128xf32, #tpu.memory_space<vmem>> -> memref<80x128xf32, #tpu.memory_space<vmem>>
      %dma_start3A_846 = arith.constant 0 : i32
      %dma_start3A_847 = tpu.memref_slice %arg4[%add3A_840, %dma_start3A_846] : memref<204800x128xf32, #tpu.memory_space<hbm>> -> memref<80x128xf32, #tpu.memory_space<hbm>>
      %dma_start3A_848 = arith.constant 0 : i32
      %dma_start3A_849 = tpu.memref_slice %arg4[%add3A_840, %dma_start3A_848] : memref<204800x128xf32, #tpu.memory_space<hbm>> -> memref<80x128xf32, #tpu.memory_space<hbm>>
      %dma_start3A_850 = arith.constant 0 : i32
      %dma_start3A_851 = arith.constant 0 : i32
      %dma_start3A_852 = tpu.memref_slice %arg7[%dma_start3A_841, %dma_start3A_850, %dma_start3A_851] : memref<2x80x128xf32, #tpu.memory_space<vmem>> -> memref<1x80x128xf32, #tpu.memory_space<vmem>>
      %dma_start3A_853 = tpu.memref_squeeze %dma_start3A_852 : memref<1x80x128xf32, #tpu.memory_space<vmem>> -> memref<80x128xf32, #tpu.memory_space<vmem>>
      tpu.enqueue_dma source(%dma_start3A_853 : memref<80x128xf32, #tpu.memory_space<vmem>>) target(%dma_start3A_849 : memref<80x128xf32, #tpu.memory_space<hbm>>) target_semaphore(%arg15 : memref<!tpu.dma_semaphore, #tpu.memory_space<semaphore_mem>>)
      %add3A_854 = arith.constant 3 : i32
      %add3A_855 = arith.addi %mul3A_410, %add3A_854 : i32
      %sub3A_856 = arith.constant 4 : i32
      %sub3A_857 = arith.subi %add3A_855, %sub3A_856 : i32
      %mul3A_858 = arith.constant 2 : i32
      %mul3A_859 = arith.muli %sub3A_857, %mul3A_858 : i32
      %add3A_860 = arith.constant 0 : i32
      %add3A_861 = arith.addi %mul3A_859, %add3A_860 : i32
      %mul3A_862 = arith.constant 80 : i32
      %mul3A_863 = arith.muli %add3A_861, %mul3A_862 : i32
      %add3A_864 = arith.addi %mul3A_2, %mul3A_863 : i32
      %dma_wait3A_865 = arith.constant 0 : i32
      %dma_wait3A_866 = arith.constant 0 : i32
      %dma_wait3A_867 = arith.constant 0 : i32
      %dma_wait3A_868 = tpu.memref_slice %arg9[%dma_wait3A_865, %dma_wait3A_866, %dma_wait3A_867] : memref<2x80x128xf32, #tpu.memory_space<vmem>> -> memref<1x80x128xf32, #tpu.memory_space<vmem>>
      %dma_wait3A_869 = tpu.memref_squeeze %dma_wait3A_868 : memref<1x80x128xf32, #tpu.memory_space<vmem>> -> memref<80x128xf32, #tpu.memory_space<vmem>>
      %dma_wait3A_870 = arith.constant 0 : i32
      %dma_wait3A_871 = tpu.memref_slice %arg4[%add3A_864, %dma_wait3A_870] : memref<204800x128xf32, #tpu.memory_space<hbm>> -> memref<80x128xf32, #tpu.memory_space<hbm>>
      %dma_wait3A_872 = arith.constant 0 : i32
      %dma_wait3A_873 = tpu.memref_slice %arg4[%add3A_864, %dma_wait3A_872] : memref<204800x128xf32, #tpu.memory_space<hbm>> -> memref<80x128xf32, #tpu.memory_space<hbm>>
      %dma_wait3A_874 = arith.constant 0 : i32
      %dma_wait3A_875 = arith.constant 0 : i32
      %dma_wait3A_876 = tpu.memref_slice %arg9[%dma_wait3A_865, %dma_wait3A_874, %dma_wait3A_875] : memref<2x80x128xf32, #tpu.memory_space<vmem>> -> memref<1x80x128xf32, #tpu.memory_space<vmem>>
      %dma_wait3A_877 = tpu.memref_squeeze %dma_wait3A_876 : memref<1x80x128xf32, #tpu.memory_space<vmem>> -> memref<80x128xf32, #tpu.memory_space<vmem>>
      tpu.wait_dma2 semaphore(%arg17 : memref<!tpu.dma_semaphore, #tpu.memory_space<semaphore_mem>>) src(%dma_wait3A_877 : memref<80x128xf32, #tpu.memory_space<vmem>>) dst(%dma_wait3A_873 : memref<80x128xf32, #tpu.memory_space<hbm>>)
      %mul3A_878 = arith.constant 2 : i32
      %mul3A_879 = arith.muli %sub3A_857, %mul3A_878 : i32
      %add3A_880 = arith.constant 1 : i32
      %add3A_881 = arith.addi %mul3A_879, %add3A_880 : i32
      %mul3A_882 = arith.constant 80 : i32
      %mul3A_883 = arith.muli %add3A_881, %mul3A_882 : i32
      %add3A_884 = arith.addi %mul3A_2, %mul3A_883 : i32
      %dma_wait3A_885 = arith.constant 1 : i32
      %dma_wait3A_886 = arith.constant 0 : i32
      %dma_wait3A_887 = arith.constant 0 : i32
      %dma_wait3A_888 = tpu.memref_slice %arg9[%dma_wait3A_885, %dma_wait3A_886, %dma_wait3A_887] : memref<2x80x128xf32, #tpu.memory_space<vmem>> -> memref<1x80x128xf32, #tpu.memory_space<vmem>>
      %dma_wait3A_889 = tpu.memref_squeeze %dma_wait3A_888 : memref<1x80x128xf32, #tpu.memory_space<vmem>> -> memref<80x128xf32, #tpu.memory_space<vmem>>
      %dma_wait3A_890 = arith.constant 0 : i32
      %dma_wait3A_891 = tpu.memref_slice %arg4[%add3A_884, %dma_wait3A_890] : memref<204800x128xf32, #tpu.memory_space<hbm>> -> memref<80x128xf32, #tpu.memory_space<hbm>>
      %dma_wait3A_892 = arith.constant 0 : i32
      %dma_wait3A_893 = tpu.memref_slice %arg4[%add3A_884, %dma_wait3A_892] : memref<204800x128xf32, #tpu.memory_space<hbm>> -> memref<80x128xf32, #tpu.memory_space<hbm>>
      %dma_wait3A_894 = arith.constant 0 : i32
      %dma_wait3A_895 = arith.constant 0 : i32
      %dma_wait3A_896 = tpu.memref_slice %arg9[%dma_wait3A_885, %dma_wait3A_894, %dma_wait3A_895] : memref<2x80x128xf32, #tpu.memory_space<vmem>> -> memref<1x80x128xf32, #tpu.memory_space<vmem>>
      %dma_wait3A_897 = tpu.memref_squeeze %dma_wait3A_896 : memref<1x80x128xf32, #tpu.memory_space<vmem>> -> memref<80x128xf32, #tpu.memory_space<vmem>>
      tpu.wait_dma2 semaphore(%arg17 : memref<!tpu.dma_semaphore, #tpu.memory_space<semaphore_mem>>) src(%dma_wait3A_897 : memref<80x128xf32, #tpu.memory_space<vmem>>) dst(%dma_wait3A_893 : memref<80x128xf32, #tpu.memory_space<hbm>>)
      %mul3A_898 = arith.constant 2 : i32
      %mul3A_899 = arith.muli %add3A_855, %mul3A_898 : i32
      %add3A_900 = arith.constant 0 : i32
      %add3A_901 = arith.addi %mul3A_899, %add3A_900 : i32
      %mul3A_902 = arith.constant 80 : i32
      %mul3A_903 = arith.muli %add3A_901, %mul3A_902 : i32
      %dma_start3A_904 = arith.constant 0 : i32
      %dma_start3A_905 = arith.constant 0 : i32
      %dma_start3A_906 = arith.constant 0 : i32
      %dma_start3A_907 = tpu.memref_slice %arg9[%dma_start3A_904, %dma_start3A_905, %dma_start3A_906] : memref<2x80x128xf32, #tpu.memory_space<vmem>> -> memref<1x80x128xf32, #tpu.memory_space<vmem>>
      %dma_start3A_908 = tpu.memref_squeeze %dma_start3A_907 : memref<1x80x128xf32, #tpu.memory_space<vmem>> -> memref<80x128xf32, #tpu.memory_space<vmem>>
      %dma_start3A_909 = tpu.memref_slice %arg5[%mul3A_903] : memref<6400xi32, #tpu.memory_space<vmem>> -> memref<80xi32, #tpu.memory_space<vmem>>
      %dma_start3A_910 = arith.constant 0 : i32
      %dma_start3A_911 = arith.constant 0 : i32
      %dma_start3A_912 = tpu.memref_slice %arg2[%dma_start3A_910, %dma_start3A_911] : memref<100000x128xf32, #tpu.memory_space<hbm>> -> memref<100000x128xf32, #tpu.memory_space<hbm>>
      tpu.enqueue_indirect_dma source(%dma_start3A_912 : memref<100000x128xf32, #tpu.memory_space<hbm>>) target(%dma_start3A_908 : memref<80x128xf32, #tpu.memory_space<vmem>>) offsets(%dma_start3A_909 : memref<80xi32, #tpu.memory_space<vmem>>) semaphore(%arg13 : memref<!tpu.dma_semaphore, #tpu.memory_space<semaphore_mem>>)
      %mul3A_913 = arith.constant 2 : i32
      %mul3A_914 = arith.muli %add3A_855, %mul3A_913 : i32
      %add3A_915 = arith.constant 1 : i32
      %add3A_916 = arith.addi %mul3A_914, %add3A_915 : i32
      %mul3A_917 = arith.constant 80 : i32
      %mul3A_918 = arith.muli %add3A_916, %mul3A_917 : i32
      %dma_start3A_919 = arith.constant 1 : i32
      %dma_start3A_920 = arith.constant 0 : i32
      %dma_start3A_921 = arith.constant 0 : i32
      %dma_start3A_922 = tpu.memref_slice %arg9[%dma_start3A_919, %dma_start3A_920, %dma_start3A_921] : memref<2x80x128xf32, #tpu.memory_space<vmem>> -> memref<1x80x128xf32, #tpu.memory_space<vmem>>
      %dma_start3A_923 = tpu.memref_squeeze %dma_start3A_922 : memref<1x80x128xf32, #tpu.memory_space<vmem>> -> memref<80x128xf32, #tpu.memory_space<vmem>>
      %dma_start3A_924 = tpu.memref_slice %arg5[%mul3A_918] : memref<6400xi32, #tpu.memory_space<vmem>> -> memref<80xi32, #tpu.memory_space<vmem>>
      %dma_start3A_925 = arith.constant 0 : i32
      %dma_start3A_926 = arith.constant 0 : i32
      %dma_start3A_927 = tpu.memref_slice %arg2[%dma_start3A_925, %dma_start3A_926] : memref<100000x128xf32, #tpu.memory_space<hbm>> -> memref<100000x128xf32, #tpu.memory_space<hbm>>
      tpu.enqueue_indirect_dma source(%dma_start3A_927 : memref<100000x128xf32, #tpu.memory_space<hbm>>) target(%dma_start3A_923 : memref<80x128xf32, #tpu.memory_space<vmem>>) offsets(%dma_start3A_924 : memref<80xi32, #tpu.memory_space<vmem>>) semaphore(%arg13 : memref<!tpu.dma_semaphore, #tpu.memory_space<semaphore_mem>>)
      %sub3A_928 = arith.constant 1 : i32
      %sub3A_929 = arith.subi %add3A_855, %sub3A_928 : i32
      %mul3A_930 = arith.constant 2 : i32
      %mul3A_931 = arith.muli %sub3A_929, %mul3A_930 : i32
      %add3A_932 = arith.constant 0 : i32
      %add3A_933 = arith.addi %mul3A_931, %add3A_932 : i32
      %mul3A_934 = arith.constant 80 : i32
      %mul3A_935 = arith.muli %add3A_933, %mul3A_934 : i32
      %dma_wait3A_936 = arith.constant 0 : i32
      %dma_wait3A_937 = arith.constant 0 : i32
      %dma_wait3A_938 = arith.constant 0 : i32
      %dma_wait3A_939 = tpu.memref_slice %arg8[%dma_wait3A_936, %dma_wait3A_937, %dma_wait3A_938] : memref<2x80x128xf32, #tpu.memory_space<vmem>> -> memref<1x80x128xf32, #tpu.memory_space<vmem>>
      %dma_wait3A_940 = tpu.memref_squeeze %dma_wait3A_939 : memref<1x80x128xf32, #tpu.memory_space<vmem>> -> memref<80x128xf32, #tpu.memory_space<vmem>>
      %dma_wait3A_941 = tpu.memref_slice %arg5[%mul3A_935] : memref<6400xi32, #tpu.memory_space<vmem>> -> memref<80xi32, #tpu.memory_space<vmem>>
      %dma_wait3A_942 = arith.constant 0 : i32
      %dma_wait3A_943 = arith.constant 0 : i32
      %dma_wait3A_944 = tpu.memref_slice %arg2[%dma_wait3A_942, %dma_wait3A_943] : memref<100000x128xf32, #tpu.memory_space<hbm>> -> memref<100000x128xf32, #tpu.memory_space<hbm>>
      tpu.wait_indirect_dma semaphore(%arg12 : memref<!tpu.dma_semaphore, #tpu.memory_space<semaphore_mem>>) src(%dma_wait3A_944 : memref<100000x128xf32, #tpu.memory_space<hbm>>) dst(%dma_wait3A_940 : memref<80x128xf32, #tpu.memory_space<vmem>>)
      %mul3A_945 = arith.constant 2 : i32
      %mul3A_946 = arith.muli %sub3A_929, %mul3A_945 : i32
      %add3A_947 = arith.constant 1 : i32
      %add3A_948 = arith.addi %mul3A_946, %add3A_947 : i32
      %mul3A_949 = arith.constant 80 : i32
      %mul3A_950 = arith.muli %add3A_948, %mul3A_949 : i32
      %dma_wait3A_951 = arith.constant 1 : i32
      %dma_wait3A_952 = arith.constant 0 : i32
      %dma_wait3A_953 = arith.constant 0 : i32
      %dma_wait3A_954 = tpu.memref_slice %arg8[%dma_wait3A_951, %dma_wait3A_952, %dma_wait3A_953] : memref<2x80x128xf32, #tpu.memory_space<vmem>> -> memref<1x80x128xf32, #tpu.memory_space<vmem>>
      %dma_wait3A_955 = tpu.memref_squeeze %dma_wait3A_954 : memref<1x80x128xf32, #tpu.memory_space<vmem>> -> memref<80x128xf32, #tpu.memory_space<vmem>>
      %dma_wait3A_956 = tpu.memref_slice %arg5[%mul3A_950] : memref<6400xi32, #tpu.memory_space<vmem>> -> memref<80xi32, #tpu.memory_space<vmem>>
      %dma_wait3A_957 = arith.constant 0 : i32
      %dma_wait3A_958 = arith.constant 0 : i32
      %dma_wait3A_959 = tpu.memref_slice %arg2[%dma_wait3A_957, %dma_wait3A_958] : memref<100000x128xf32, #tpu.memory_space<hbm>> -> memref<100000x128xf32, #tpu.memory_space<hbm>>
      tpu.wait_indirect_dma semaphore(%arg12 : memref<!tpu.dma_semaphore, #tpu.memory_space<semaphore_mem>>) src(%dma_wait3A_959 : memref<100000x128xf32, #tpu.memory_space<hbm>>) dst(%dma_wait3A_955 : memref<80x128xf32, #tpu.memory_space<vmem>>)
      %sub3A_960 = arith.constant 1 : i32
      %sub3A_961 = arith.subi %add3A_855, %sub3A_960 : i32
      %mul3A_962 = arith.constant 2 : i32
      %mul3A_963 = arith.muli %sub3A_961, %mul3A_962 : i32
      %add3A_964 = arith.constant 0 : i32
      %add3A_965 = arith.addi %mul3A_963, %add3A_964 : i32
      %mul3A_966 = arith.constant 80 : i32
      %mul3A_967 = arith.muli %add3A_965, %mul3A_966 : i32
      %add3A_968 = arith.addi %mul3A_2, %mul3A_967 : i32
      %dma_start3A_969 = arith.constant 0 : i32
      %dma_start3A_970 = arith.constant 0 : i32
      %dma_start3A_971 = arith.constant 0 : i32
      %dma_start3A_972 = tpu.memref_slice %arg8[%dma_start3A_969, %dma_start3A_970, %dma_start3A_971] : memref<2x80x128xf32, #tpu.memory_space<vmem>> -> memref<1x80x128xf32, #tpu.memory_space<vmem>>
      %dma_start3A_973 = tpu.memref_squeeze %dma_start3A_972 : memref<1x80x128xf32, #tpu.memory_space<vmem>> -> memref<80x128xf32, #tpu.memory_space<vmem>>
      %dma_start3A_974 = arith.constant 0 : i32
      %dma_start3A_975 = tpu.memref_slice %arg4[%add3A_968, %dma_start3A_974] : memref<204800x128xf32, #tpu.memory_space<hbm>> -> memref<80x128xf32, #tpu.memory_space<hbm>>
      %dma_start3A_976 = arith.constant 0 : i32
      %dma_start3A_977 = tpu.memref_slice %arg4[%add3A_968, %dma_start3A_976] : memref<204800x128xf32, #tpu.memory_space<hbm>> -> memref<80x128xf32, #tpu.memory_space<hbm>>
      %dma_start3A_978 = arith.constant 0 : i32
      %dma_start3A_979 = arith.constant 0 : i32
      %dma_start3A_980 = tpu.memref_slice %arg8[%dma_start3A_969, %dma_start3A_978, %dma_start3A_979] : memref<2x80x128xf32, #tpu.memory_space<vmem>> -> memref<1x80x128xf32, #tpu.memory_space<vmem>>
      %dma_start3A_981 = tpu.memref_squeeze %dma_start3A_980 : memref<1x80x128xf32, #tpu.memory_space<vmem>> -> memref<80x128xf32, #tpu.memory_space<vmem>>
      tpu.enqueue_dma source(%dma_start3A_981 : memref<80x128xf32, #tpu.memory_space<vmem>>) target(%dma_start3A_977 : memref<80x128xf32, #tpu.memory_space<hbm>>) target_semaphore(%arg16 : memref<!tpu.dma_semaphore, #tpu.memory_space<semaphore_mem>>)
      %mul3A_982 = arith.constant 2 : i32
      %mul3A_983 = arith.muli %sub3A_961, %mul3A_982 : i32
      %add3A_984 = arith.constant 1 : i32
      %add3A_985 = arith.addi %mul3A_983, %add3A_984 : i32
      %mul3A_986 = arith.constant 80 : i32
      %mul3A_987 = arith.muli %add3A_985, %mul3A_986 : i32
      %add3A_988 = arith.addi %mul3A_2, %mul3A_987 : i32
      %dma_start3A_989 = arith.constant 1 : i32
      %dma_start3A_990 = arith.constant 0 : i32
      %dma_start3A_991 = arith.constant 0 : i32
      %dma_start3A_992 = tpu.memref_slice %arg8[%dma_start3A_989, %dma_start3A_990, %dma_start3A_991] : memref<2x80x128xf32, #tpu.memory_space<vmem>> -> memref<1x80x128xf32, #tpu.memory_space<vmem>>
      %dma_start3A_993 = tpu.memref_squeeze %dma_start3A_992 : memref<1x80x128xf32, #tpu.memory_space<vmem>> -> memref<80x128xf32, #tpu.memory_space<vmem>>
      %dma_start3A_994 = arith.constant 0 : i32
      %dma_start3A_995 = tpu.memref_slice %arg4[%add3A_988, %dma_start3A_994] : memref<204800x128xf32, #tpu.memory_space<hbm>> -> memref<80x128xf32, #tpu.memory_space<hbm>>
      %dma_start3A_996 = arith.constant 0 : i32
      %dma_start3A_997 = tpu.memref_slice %arg4[%add3A_988, %dma_start3A_996] : memref<204800x128xf32, #tpu.memory_space<hbm>> -> memref<80x128xf32, #tpu.memory_space<hbm>>
      %dma_start3A_998 = arith.constant 0 : i32
      %dma_start3A_999 = arith.constant 0 : i32
      %dma_start3A_1000 = tpu.memref_slice %arg8[%dma_start3A_989, %dma_start3A_998, %dma_start3A_999] : memref<2x80x128xf32, #tpu.memory_space<vmem>> -> memref<1x80x128xf32, #tpu.memory_space<vmem>>
      %dma_start3A_1001 = tpu.memref_squeeze %dma_start3A_1000 : memref<1x80x128xf32, #tpu.memory_space<vmem>> -> memref<80x128xf32, #tpu.memory_space<vmem>>
      tpu.enqueue_dma source(%dma_start3A_1001 : memref<80x128xf32, #tpu.memory_space<vmem>>) target(%dma_start3A_997 : memref<80x128xf32, #tpu.memory_space<hbm>>) target_semaphore(%arg16 : memref<!tpu.dma_semaphore, #tpu.memory_space<semaphore_mem>>)
      %scan3A_1002 = arith.constant 0 : i32
      scf.yield %scan3A_1002 : i32
    }
    %scan3A_236 = arith.constant 9 : i32
    %dma_wait3A_237 = arith.constant 0 : i32
    %dma_wait3A_238 = arith.constant 0 : i32
    %dma_wait3A_239 = arith.constant 0 : i32
    %dma_wait3A_240 = tpu.memref_slice %arg9[%dma_wait3A_237, %dma_wait3A_238, %dma_wait3A_239] : memref<2x80x128xf32, #tpu.memory_space<vmem>> -> memref<1x80x128xf32, #tpu.memory_space<vmem>>
    %dma_wait3A_241 = tpu.memref_squeeze %dma_wait3A_240 : memref<1x80x128xf32, #tpu.memory_space<vmem>> -> memref<80x128xf32, #tpu.memory_space<vmem>>
    %dma_wait3A_242 = arith.constant 6240 : i32
    %dma_wait3A_243 = tpu.memref_slice %arg5[%dma_wait3A_242] : memref<6400xi32, #tpu.memory_space<vmem>> -> memref<80xi32, #tpu.memory_space<vmem>>
    %dma_wait3A_244 = arith.constant 0 : i32
    %dma_wait3A_245 = arith.constant 0 : i32
    %dma_wait3A_246 = tpu.memref_slice %arg2[%dma_wait3A_244, %dma_wait3A_245] : memref<100000x128xf32, #tpu.memory_space<hbm>> -> memref<100000x128xf32, #tpu.memory_space<hbm>>
    tpu.wait_indirect_dma semaphore(%arg13 : memref<!tpu.dma_semaphore, #tpu.memory_space<semaphore_mem>>) src(%dma_wait3A_246 : memref<100000x128xf32, #tpu.memory_space<hbm>>) dst(%dma_wait3A_241 : memref<80x128xf32, #tpu.memory_space<vmem>>)
    %dma_wait3A_247 = arith.constant 1 : i32
    %dma_wait3A_248 = arith.constant 0 : i32
    %dma_wait3A_249 = arith.constant 0 : i32
    %dma_wait3A_250 = tpu.memref_slice %arg9[%dma_wait3A_247, %dma_wait3A_248, %dma_wait3A_249] : memref<2x80x128xf32, #tpu.memory_space<vmem>> -> memref<1x80x128xf32, #tpu.memory_space<vmem>>
    %dma_wait3A_251 = tpu.memref_squeeze %dma_wait3A_250 : memref<1x80x128xf32, #tpu.memory_space<vmem>> -> memref<80x128xf32, #tpu.memory_space<vmem>>
    %dma_wait3A_252 = arith.constant 6320 : i32
    %dma_wait3A_253 = tpu.memref_slice %arg5[%dma_wait3A_252] : memref<6400xi32, #tpu.memory_space<vmem>> -> memref<80xi32, #tpu.memory_space<vmem>>
    %dma_wait3A_254 = arith.constant 0 : i32
    %dma_wait3A_255 = arith.constant 0 : i32
    %dma_wait3A_256 = tpu.memref_slice %arg2[%dma_wait3A_254, %dma_wait3A_255] : memref<100000x128xf32, #tpu.memory_space<hbm>> -> memref<100000x128xf32, #tpu.memory_space<hbm>>
    tpu.wait_indirect_dma semaphore(%arg13 : memref<!tpu.dma_semaphore, #tpu.memory_space<semaphore_mem>>) src(%dma_wait3A_256 : memref<100000x128xf32, #tpu.memory_space<hbm>>) dst(%dma_wait3A_251 : memref<80x128xf32, #tpu.memory_space<vmem>>)
    %add3A_257 = arith.constant 6240 : i32
    %add3A_258 = arith.addi %mul3A_2, %add3A_257 : i32
    %dma_start3A_259 = arith.constant 0 : i32
    %dma_start3A_260 = arith.constant 0 : i32
    %dma_start3A_261 = arith.constant 0 : i32
    %dma_start3A_262 = tpu.memref_slice %arg9[%dma_start3A_259, %dma_start3A_260, %dma_start3A_261] : memref<2x80x128xf32, #tpu.memory_space<vmem>> -> memref<1x80x128xf32, #tpu.memory_space<vmem>>
    %dma_start3A_263 = tpu.memref_squeeze %dma_start3A_262 : memref<1x80x128xf32, #tpu.memory_space<vmem>> -> memref<80x128xf32, #tpu.memory_space<vmem>>
    %dma_start3A_264 = arith.constant 0 : i32
    %dma_start3A_265 = tpu.memref_slice %arg4[%add3A_258, %dma_start3A_264] : memref<204800x128xf32, #tpu.memory_space<hbm>> -> memref<80x128xf32, #tpu.memory_space<hbm>>
    %dma_start3A_266 = arith.constant 0 : i32
    %dma_start3A_267 = tpu.memref_slice %arg4[%add3A_258, %dma_start3A_266] : memref<204800x128xf32, #tpu.memory_space<hbm>> -> memref<80x128xf32, #tpu.memory_space<hbm>>
    %dma_start3A_268 = arith.constant 0 : i32
    %dma_start3A_269 = arith.constant 0 : i32
    %dma_start3A_270 = tpu.memref_slice %arg9[%dma_start3A_259, %dma_start3A_268, %dma_start3A_269] : memref<2x80x128xf32, #tpu.memory_space<vmem>> -> memref<1x80x128xf32, #tpu.memory_space<vmem>>
    %dma_start3A_271 = tpu.memref_squeeze %dma_start3A_270 : memref<1x80x128xf32, #tpu.memory_space<vmem>> -> memref<80x128xf32, #tpu.memory_space<vmem>>
    tpu.enqueue_dma source(%dma_start3A_271 : memref<80x128xf32, #tpu.memory_space<vmem>>) target(%dma_start3A_267 : memref<80x128xf32, #tpu.memory_space<hbm>>) target_semaphore(%arg17 : memref<!tpu.dma_semaphore, #tpu.memory_space<semaphore_mem>>)
    %add3A_272 = arith.constant 6320 : i32
    %add3A_273 = arith.addi %mul3A_2, %add3A_272 : i32
    %dma_start3A_274 = arith.constant 1 : i32
    %dma_start3A_275 = arith.constant 0 : i32
    %dma_start3A_276 = arith.constant 0 : i32
    %dma_start3A_277 = tpu.memref_slice %arg9[%dma_start3A_274, %dma_start3A_275, %dma_start3A_276] : memref<2x80x128xf32, #tpu.memory_space<vmem>> -> memref<1x80x128xf32, #tpu.memory_space<vmem>>
    %dma_start3A_278 = tpu.memref_squeeze %dma_start3A_277 : memref<1x80x128xf32, #tpu.memory_space<vmem>> -> memref<80x128xf32, #tpu.memory_space<vmem>>
    %dma_start3A_279 = arith.constant 0 : i32
    %dma_start3A_280 = tpu.memref_slice %arg4[%add3A_273, %dma_start3A_279] : memref<204800x128xf32, #tpu.memory_space<hbm>> -> memref<80x128xf32, #tpu.memory_space<hbm>>
    %dma_start3A_281 = arith.constant 0 : i32
    %dma_start3A_282 = tpu.memref_slice %arg4[%add3A_273, %dma_start3A_281] : memref<204800x128xf32, #tpu.memory_space<hbm>> -> memref<80x128xf32, #tpu.memory_space<hbm>>
    %dma_start3A_283 = arith.constant 0 : i32
    %dma_start3A_284 = arith.constant 0 : i32
    %dma_start3A_285 = tpu.memref_slice %arg9[%dma_start3A_274, %dma_start3A_283, %dma_start3A_284] : memref<2x80x128xf32, #tpu.memory_space<vmem>> -> memref<1x80x128xf32, #tpu.memory_space<vmem>>
    %dma_start3A_286 = tpu.memref_squeeze %dma_start3A_285 : memref<1x80x128xf32, #tpu.memory_space<vmem>> -> memref<80x128xf32, #tpu.memory_space<vmem>>
    tpu.enqueue_dma source(%dma_start3A_286 : memref<80x128xf32, #tpu.memory_space<vmem>>) target(%dma_start3A_282 : memref<80x128xf32, #tpu.memory_space<hbm>>) target_semaphore(%arg17 : memref<!tpu.dma_semaphore, #tpu.memory_space<semaphore_mem>>)
    %add3A_287 = arith.constant 5760 : i32
    %add3A_288 = arith.addi %mul3A_2, %add3A_287 : i32
    %dma_wait3A_289 = arith.constant 0 : i32
    %dma_wait3A_290 = arith.constant 0 : i32
    %dma_wait3A_291 = arith.constant 0 : i32
    %dma_wait3A_292 = tpu.memref_slice %arg6[%dma_wait3A_289, %dma_wait3A_290, %dma_wait3A_291] : memref<2x80x128xf32, #tpu.memory_space<vmem>> -> memref<1x80x128xf32, #tpu.memory_space<vmem>>
    %dma_wait3A_293 = tpu.memref_squeeze %dma_wait3A_292 : memref<1x80x128xf32, #tpu.memory_space<vmem>> -> memref<80x128xf32, #tpu.memory_space<vmem>>
    %dma_wait3A_294 = arith.constant 0 : i32
    %dma_wait3A_295 = tpu.memref_slice %arg4[%add3A_288, %dma_wait3A_294] : memref<204800x128xf32, #tpu.memory_space<hbm>> -> memref<80x128xf32, #tpu.memory_space<hbm>>
    %dma_wait3A_296 = arith.constant 0 : i32
    %dma_wait3A_297 = tpu.memref_slice %arg4[%add3A_288, %dma_wait3A_296] : memref<204800x128xf32, #tpu.memory_space<hbm>> -> memref<80x128xf32, #tpu.memory_space<hbm>>
    %dma_wait3A_298 = arith.constant 0 : i32
    %dma_wait3A_299 = arith.constant 0 : i32
    %dma_wait3A_300 = tpu.memref_slice %arg6[%dma_wait3A_289, %dma_wait3A_298, %dma_wait3A_299] : memref<2x80x128xf32, #tpu.memory_space<vmem>> -> memref<1x80x128xf32, #tpu.memory_space<vmem>>
    %dma_wait3A_301 = tpu.memref_squeeze %dma_wait3A_300 : memref<1x80x128xf32, #tpu.memory_space<vmem>> -> memref<80x128xf32, #tpu.memory_space<vmem>>
    tpu.wait_dma2 semaphore(%arg14 : memref<!tpu.dma_semaphore, #tpu.memory_space<semaphore_mem>>) src(%dma_wait3A_301 : memref<80x128xf32, #tpu.memory_space<vmem>>) dst(%dma_wait3A_297 : memref<80x128xf32, #tpu.memory_space<hbm>>)
    %add3A_302 = arith.constant 5840 : i32
    %add3A_303 = arith.addi %mul3A_2, %add3A_302 : i32
    %dma_wait3A_304 = arith.constant 1 : i32
    %dma_wait3A_305 = arith.constant 0 : i32
    %dma_wait3A_306 = arith.constant 0 : i32
    %dma_wait3A_307 = tpu.memref_slice %arg6[%dma_wait3A_304, %dma_wait3A_305, %dma_wait3A_306] : memref<2x80x128xf32, #tpu.memory_space<vmem>> -> memref<1x80x128xf32, #tpu.memory_space<vmem>>
    %dma_wait3A_308 = tpu.memref_squeeze %dma_wait3A_307 : memref<1x80x128xf32, #tpu.memory_space<vmem>> -> memref<80x128xf32, #tpu.memory_space<vmem>>
    %dma_wait3A_309 = arith.constant 0 : i32
    %dma_wait3A_310 = tpu.memref_slice %arg4[%add3A_303, %dma_wait3A_309] : memref<204800x128xf32, #tpu.memory_space<hbm>> -> memref<80x128xf32, #tpu.memory_space<hbm>>
    %dma_wait3A_311 = arith.constant 0 : i32
    %dma_wait3A_312 = tpu.memref_slice %arg4[%add3A_303, %dma_wait3A_311] : memref<204800x128xf32, #tpu.memory_space<hbm>> -> memref<80x128xf32, #tpu.memory_space<hbm>>
    %dma_wait3A_313 = arith.constant 0 : i32
    %dma_wait3A_314 = arith.constant 0 : i32
    %dma_wait3A_315 = tpu.memref_slice %arg6[%dma_wait3A_304, %dma_wait3A_313, %dma_wait3A_314] : memref<2x80x128xf32, #tpu.memory_space<vmem>> -> memref<1x80x128xf32, #tpu.memory_space<vmem>>
    %dma_wait3A_316 = tpu.memref_squeeze %dma_wait3A_315 : memref<1x80x128xf32, #tpu.memory_space<vmem>> -> memref<80x128xf32, #tpu.memory_space<vmem>>
    tpu.wait_dma2 semaphore(%arg14 : memref<!tpu.dma_semaphore, #tpu.memory_space<semaphore_mem>>) src(%dma_wait3A_316 : memref<80x128xf32, #tpu.memory_space<vmem>>) dst(%dma_wait3A_312 : memref<80x128xf32, #tpu.memory_space<hbm>>)
    %add3A_317 = arith.constant 5920 : i32
    %add3A_318 = arith.addi %mul3A_2, %add3A_317 : i32
    %dma_wait3A_319 = arith.constant 0 : i32
    %dma_wait3A_320 = arith.constant 0 : i32
    %dma_wait3A_321 = arith.constant 0 : i32
    %dma_wait3A_322 = tpu.memref_slice %arg7[%dma_wait3A_319, %dma_wait3A_320, %dma_wait3A_321] : memref<2x80x128xf32, #tpu.memory_space<vmem>> -> memref<1x80x128xf32, #tpu.memory_space<vmem>>
    %dma_wait3A_323 = tpu.memref_squeeze %dma_wait3A_322 : memref<1x80x128xf32, #tpu.memory_space<vmem>> -> memref<80x128xf32, #tpu.memory_space<vmem>>
    %dma_wait3A_324 = arith.constant 0 : i32
    %dma_wait3A_325 = tpu.memref_slice %arg4[%add3A_318, %dma_wait3A_324] : memref<204800x128xf32, #tpu.memory_space<hbm>> -> memref<80x128xf32, #tpu.memory_space<hbm>>
    %dma_wait3A_326 = arith.constant 0 : i32
    %dma_wait3A_327 = tpu.memref_slice %arg4[%add3A_318, %dma_wait3A_326] : memref<204800x128xf32, #tpu.memory_space<hbm>> -> memref<80x128xf32, #tpu.memory_space<hbm>>
    %dma_wait3A_328 = arith.constant 0 : i32
    %dma_wait3A_329 = arith.constant 0 : i32
    %dma_wait3A_330 = tpu.memref_slice %arg7[%dma_wait3A_319, %dma_wait3A_328, %dma_wait3A_329] : memref<2x80x128xf32, #tpu.memory_space<vmem>> -> memref<1x80x128xf32, #tpu.memory_space<vmem>>
    %dma_wait3A_331 = tpu.memref_squeeze %dma_wait3A_330 : memref<1x80x128xf32, #tpu.memory_space<vmem>> -> memref<80x128xf32, #tpu.memory_space<vmem>>
    tpu.wait_dma2 semaphore(%arg15 : memref<!tpu.dma_semaphore, #tpu.memory_space<semaphore_mem>>) src(%dma_wait3A_331 : memref<80x128xf32, #tpu.memory_space<vmem>>) dst(%dma_wait3A_327 : memref<80x128xf32, #tpu.memory_space<hbm>>)
    %add3A_332 = arith.constant 6000 : i32
    %add3A_333 = arith.addi %mul3A_2, %add3A_332 : i32
    %dma_wait3A_334 = arith.constant 1 : i32
    %dma_wait3A_335 = arith.constant 0 : i32
    %dma_wait3A_336 = arith.constant 0 : i32
    %dma_wait3A_337 = tpu.memref_slice %arg7[%dma_wait3A_334, %dma_wait3A_335, %dma_wait3A_336] : memref<2x80x128xf32, #tpu.memory_space<vmem>> -> memref<1x80x128xf32, #tpu.memory_space<vmem>>
    %dma_wait3A_338 = tpu.memref_squeeze %dma_wait3A_337 : memref<1x80x128xf32, #tpu.memory_space<vmem>> -> memref<80x128xf32, #tpu.memory_space<vmem>>
    %dma_wait3A_339 = arith.constant 0 : i32
    %dma_wait3A_340 = tpu.memref_slice %arg4[%add3A_333, %dma_wait3A_339] : memref<204800x128xf32, #tpu.memory_space<hbm>> -> memref<80x128xf32, #tpu.memory_space<hbm>>
    %dma_wait3A_341 = arith.constant 0 : i32
    %dma_wait3A_342 = tpu.memref_slice %arg4[%add3A_333, %dma_wait3A_341] : memref<204800x128xf32, #tpu.memory_space<hbm>> -> memref<80x128xf32, #tpu.memory_space<hbm>>
    %dma_wait3A_343 = arith.constant 0 : i32
    %dma_wait3A_344 = arith.constant 0 : i32
    %dma_wait3A_345 = tpu.memref_slice %arg7[%dma_wait3A_334, %dma_wait3A_343, %dma_wait3A_344] : memref<2x80x128xf32, #tpu.memory_space<vmem>> -> memref<1x80x128xf32, #tpu.memory_space<vmem>>
    %dma_wait3A_346 = tpu.memref_squeeze %dma_wait3A_345 : memref<1x80x128xf32, #tpu.memory_space<vmem>> -> memref<80x128xf32, #tpu.memory_space<vmem>>
    tpu.wait_dma2 semaphore(%arg15 : memref<!tpu.dma_semaphore, #tpu.memory_space<semaphore_mem>>) src(%dma_wait3A_346 : memref<80x128xf32, #tpu.memory_space<vmem>>) dst(%dma_wait3A_342 : memref<80x128xf32, #tpu.memory_space<hbm>>)
    %add3A_347 = arith.constant 6080 : i32
    %add3A_348 = arith.addi %mul3A_2, %add3A_347 : i32
    %dma_wait3A_349 = arith.constant 0 : i32
    %dma_wait3A_350 = arith.constant 0 : i32
    %dma_wait3A_351 = arith.constant 0 : i32
    %dma_wait3A_352 = tpu.memref_slice %arg8[%dma_wait3A_349, %dma_wait3A_350, %dma_wait3A_351] : memref<2x80x128xf32, #tpu.memory_space<vmem>> -> memref<1x80x128xf32, #tpu.memory_space<vmem>>
    %dma_wait3A_353 = tpu.memref_squeeze %dma_wait3A_352 : memref<1x80x128xf32, #tpu.memory_space<vmem>> -> memref<80x128xf32, #tpu.memory_space<vmem>>
    %dma_wait3A_354 = arith.constant 0 : i32
    %dma_wait3A_355 = tpu.memref_slice %arg4[%add3A_348, %dma_wait3A_354] : memref<204800x128xf32, #tpu.memory_space<hbm>> -> memref<80x128xf32, #tpu.memory_space<hbm>>
    %dma_wait3A_356 = arith.constant 0 : i32
    %dma_wait3A_357 = tpu.memref_slice %arg4[%add3A_348, %dma_wait3A_356] : memref<204800x128xf32, #tpu.memory_space<hbm>> -> memref<80x128xf32, #tpu.memory_space<hbm>>
    %dma_wait3A_358 = arith.constant 0 : i32
    %dma_wait3A_359 = arith.constant 0 : i32
    %dma_wait3A_360 = tpu.memref_slice %arg8[%dma_wait3A_349, %dma_wait3A_358, %dma_wait3A_359] : memref<2x80x128xf32, #tpu.memory_space<vmem>> -> memref<1x80x128xf32, #tpu.memory_space<vmem>>
    %dma_wait3A_361 = tpu.memref_squeeze %dma_wait3A_360 : memref<1x80x128xf32, #tpu.memory_space<vmem>> -> memref<80x128xf32, #tpu.memory_space<vmem>>
    tpu.wait_dma2 semaphore(%arg16 : memref<!tpu.dma_semaphore, #tpu.memory_space<semaphore_mem>>) src(%dma_wait3A_361 : memref<80x128xf32, #tpu.memory_space<vmem>>) dst(%dma_wait3A_357 : memref<80x128xf32, #tpu.memory_space<hbm>>)
    %add3A_362 = arith.constant 6160 : i32
    %add3A_363 = arith.addi %mul3A_2, %add3A_362 : i32
    %dma_wait3A_364 = arith.constant 1 : i32
    %dma_wait3A_365 = arith.constant 0 : i32
    %dma_wait3A_366 = arith.constant 0 : i32
    %dma_wait3A_367 = tpu.memref_slice %arg8[%dma_wait3A_364, %dma_wait3A_365, %dma_wait3A_366] : memref<2x80x128xf32, #tpu.memory_space<vmem>> -> memref<1x80x128xf32, #tpu.memory_space<vmem>>
    %dma_wait3A_368 = tpu.memref_squeeze %dma_wait3A_367 : memref<1x80x128xf32, #tpu.memory_space<vmem>> -> memref<80x128xf32, #tpu.memory_space<vmem>>
    %dma_wait3A_369 = arith.constant 0 : i32
    %dma_wait3A_370 = tpu.memref_slice %arg4[%add3A_363, %dma_wait3A_369] : memref<204800x128xf32, #tpu.memory_space<hbm>> -> memref<80x128xf32, #tpu.memory_space<hbm>>
    %dma_wait3A_371 = arith.constant 0 : i32
    %dma_wait3A_372 = tpu.memref_slice %arg4[%add3A_363, %dma_wait3A_371] : memref<204800x128xf32, #tpu.memory_space<hbm>> -> memref<80x128xf32, #tpu.memory_space<hbm>>
    %dma_wait3A_373 = arith.constant 0 : i32
    %dma_wait3A_374 = arith.constant 0 : i32
    %dma_wait3A_375 = tpu.memref_slice %arg8[%dma_wait3A_364, %dma_wait3A_373, %dma_wait3A_374] : memref<2x80x128xf32, #tpu.memory_space<vmem>> -> memref<1x80x128xf32, #tpu.memory_space<vmem>>
    %dma_wait3A_376 = tpu.memref_squeeze %dma_wait3A_375 : memref<1x80x128xf32, #tpu.memory_space<vmem>> -> memref<80x128xf32, #tpu.memory_space<vmem>>
    tpu.wait_dma2 semaphore(%arg16 : memref<!tpu.dma_semaphore, #tpu.memory_space<semaphore_mem>>) src(%dma_wait3A_376 : memref<80x128xf32, #tpu.memory_space<vmem>>) dst(%dma_wait3A_372 : memref<80x128xf32, #tpu.memory_space<hbm>>)
    %add3A_377 = arith.constant 6240 : i32
    %add3A_378 = arith.addi %mul3A_2, %add3A_377 : i32
    %dma_wait3A_379 = arith.constant 0 : i32
    %dma_wait3A_380 = arith.constant 0 : i32
    %dma_wait3A_381 = arith.constant 0 : i32
    %dma_wait3A_382 = tpu.memref_slice %arg9[%dma_wait3A_379, %dma_wait3A_380, %dma_wait3A_381] : memref<2x80x128xf32, #tpu.memory_space<vmem>> -> memref<1x80x128xf32, #tpu.memory_space<vmem>>
    %dma_wait3A_383 = tpu.memref_squeeze %dma_wait3A_382 : memref<1x80x128xf32, #tpu.memory_space<vmem>> -> memref<80x128xf32, #tpu.memory_space<vmem>>
    %dma_wait3A_384 = arith.constant 0 : i32
    %dma_wait3A_385 = tpu.memref_slice %arg4[%add3A_378, %dma_wait3A_384] : memref<204800x128xf32, #tpu.memory_space<hbm>> -> memref<80x128xf32, #tpu.memory_space<hbm>>
    %dma_wait3A_386 = arith.constant 0 : i32
    %dma_wait3A_387 = tpu.memref_slice %arg4[%add3A_378, %dma_wait3A_386] : memref<204800x128xf32, #tpu.memory_space<hbm>> -> memref<80x128xf32, #tpu.memory_space<hbm>>
    %dma_wait3A_388 = arith.constant 0 : i32
    %dma_wait3A_389 = arith.constant 0 : i32
    %dma_wait3A_390 = tpu.memref_slice %arg9[%dma_wait3A_379, %dma_wait3A_388, %dma_wait3A_389] : memref<2x80x128xf32, #tpu.memory_space<vmem>> -> memref<1x80x128xf32, #tpu.memory_space<vmem>>
    %dma_wait3A_391 = tpu.memref_squeeze %dma_wait3A_390 : memref<1x80x128xf32, #tpu.memory_space<vmem>> -> memref<80x128xf32, #tpu.memory_space<vmem>>
    tpu.wait_dma2 semaphore(%arg17 : memref<!tpu.dma_semaphore, #tpu.memory_space<semaphore_mem>>) src(%dma_wait3A_391 : memref<80x128xf32, #tpu.memory_space<vmem>>) dst(%dma_wait3A_387 : memref<80x128xf32, #tpu.memory_space<hbm>>)
    %add3A_392 = arith.constant 6320 : i32
    %add3A_393 = arith.addi %mul3A_2, %add3A_392 : i32
    %dma_wait3A_394 = arith.constant 1 : i32
    %dma_wait3A_395 = arith.constant 0 : i32
    %dma_wait3A_396 = arith.constant 0 : i32
    %dma_wait3A_397 = tpu.memref_slice %arg9[%dma_wait3A_394, %dma_wait3A_395, %dma_wait3A_396] : memref<2x80x128xf32, #tpu.memory_space<vmem>> -> memref<1x80x128xf32, #tpu.memory_space<vmem>>
    %dma_wait3A_398 = tpu.memref_squeeze %dma_wait3A_397 : memref<1x80x128xf32, #tpu.memory_space<vmem>> -> memref<80x128xf32, #tpu.memory_space<vmem>>
    %dma_wait3A_399 = arith.constant 0 : i32
    %dma_wait3A_400 = tpu.memref_slice %arg4[%add3A_393, %dma_wait3A_399] : memref<204800x128xf32, #tpu.memory_space<hbm>> -> memref<80x128xf32, #tpu.memory_space<hbm>>
    %dma_wait3A_401 = arith.constant 0 : i32
    %dma_wait3A_402 = tpu.memref_slice %arg4[%add3A_393, %dma_wait3A_401] : memref<204800x128xf32, #tpu.memory_space<hbm>> -> memref<80x128xf32, #tpu.memory_space<hbm>>
    %dma_wait3A_403 = arith.constant 0 : i32
    %dma_wait3A_404 = arith.constant 0 : i32
    %dma_wait3A_405 = tpu.memref_slice %arg9[%dma_wait3A_394, %dma_wait3A_403, %dma_wait3A_404] : memref<2x80x128xf32, #tpu.memory_space<vmem>> -> memref<1x80x128xf32, #tpu.memory_space<vmem>>
    %dma_wait3A_406 = tpu.memref_squeeze %dma_wait3A_405 : memref<1x80x128xf32, #tpu.memory_space<vmem>> -> memref<80x128xf32, #tpu.memory_space<vmem>>
    tpu.wait_dma2 semaphore(%arg17 : memref<!tpu.dma_semaphore, #tpu.memory_space<semaphore_mem>>) src(%dma_wait3A_406 : memref<80x128xf32, #tpu.memory_space<vmem>>) dst(%dma_wait3A_402 : memref<80x128xf32, #tpu.memory_space<hbm>>)
    return
  }
}

</mosaic_0001>

<sc_bundles>
// kernel: _sc_gather.3.cloned.1.call-start
scs
__scs_entry_jumppad:
0x0: {  	(pc) =	sbr.rel $0x88, $3  }
0x1: {  	(tag) =	ssettag $0x0;
	lr =	simm.s32 $0x1  }
0x2: {  	[smem:$0x3F9F] =	sst lr;
	_ =	strace $0xD0000000  }
0x3: {  	_ = 	snop  }
0x4: {  	_ = 	snop  }
0x5: {  	_ = 	snop  }
0x6: {  	_ = 	snop  }
0x7: {  	_ = 	snop  }
__scs_overlays_trampoline_lowered:
0x8: {  	[smem:$0x3FAE] =	sst s0  }
0x9: {  	[smem:$0x3FAF] =	sst s1  }
0xa: {  	[smem:$0x3FB0] =	sst s2  }
0xb: {  	[smem:$0x3FB1] =	sst s3  }
0xc: {  	[smem:$0x3FB2] =	sst s4  }
0xd: {  	[smem:$0x3FB3] =	sst s5  }
0xe: {  	[smem:$0x3FB4] =	sst s6  }
0xf: {  	[smem:$0x3FB5] =	sst s7  }
0x10: {  	[smem:$0x3FB6] =	sst s8  }
0x11: {  	[smem:$0x3FB7] =	sst s9;
	s0 =	simm.s32 @!p0 $0x0  }
0x12: {  	s1 =	sld [smem:$0x3F9D];
	s0 =	simm.s32 @p0 $0x1  }
0x13: {  	[smem:$0x3FB8] =	sst s0;
	s0 =	simm.s32 @!p1 $0x0  }
0x14: {  	s2 =	sld [smem:$0x3F9C];
	s0 =	simm.s32 @p1 $0x1  }
0x15: {  	[smem:$0x3FB9] =	sst s0;
	s0 =	simm.s32 @!p2 $0x0  }
0x16: {  	s3 =	sld [smem:$0x3FDB];
	s0 =	simm.s32 @p2 $0x1  }
0x17: {  	s4 =	simm.s32 $0x1BF5;
	[smem:$0x3FBB] =	sst s0  }
0x18: {  	s0 =	sld [smem:$0x3F9E];
	_ =	swait.ge [sflag:s4], $0x0  }
0x19: {  	s7 =	sld [smem:$0x3F9F]  }
0x1a: {  	s8 =	sadd.s32 $0xFFFFE003, lr  }
0x1b: {  	s9 =	sadd.s32 $0xFFFFFEF7, lr;
	s5 =	simm.s32 $0xFFFFFFFF;
	p2 =	slt.u32 s8, $0xFFFFF086  }
0x1c: {  	p1 =	slt.u32 s9, $0xF7A;
	s5 =	simm.s32 @!p2 $0x0  }
0x1d: {  	s5 =	simm.s32 @p1 $0x1;
	p0 =	seq.s32 s7, s2  }
0x1e: {  	s7 =	smul.u32 @!p0 $0xF7A, s2;
	p2 =	seq.s32 @!p0 s5, $0x0  }
0x1f: {  	s9 =	smul.u32 $0xF7A, s1;
	s8 =	simm.s32 @!p0 $0x1BF5;
	p2 =	por !p2, p0  }
0x20: {  	[sflag:s8] =	ssyncset.s32 @!p0 $0xFFFFF086;
	s6 =	sadd.s32 @!p0 s3, s7;
	s7 =	simm.s32 @!p0 $0x108  }
0x21: {  	s3 =	sadd.s32 s3, s9;
	s6 =	sadd.s32 @!p0 $0x88, s6;
	s7 =	simm.s32 @p2 $0x1082  }
0x22: {  	[simem:s7], [sflag:s8] =	dma.local @!p0 [hbm:s6], $0xF7A  }
0x23: {  	s9 =	sor.u32 $0xD0000000, s2;
	s6 =	simm.s32 $0x108;
	_ =	swait.ge @!p0 [sflag:s8], $0x0  }
0x24: {  	s3 =	sadd.s32 $0x88, s3;
	s6 =	simm.s32 @!p1 $0x1082;
	[sflag:s4] =	ssyncset.s32 $0xFFFFF086  }
0x25: {  	[simem:s6], [sflag:s4] =	dma.local [hbm:s3], $0xF7A  }
0x26: {  	[smem:$0x3F9F] =	sst s1;
	(tag) =	ssettag s2;
	_ =	strace s9  }
0x27: {  	s1 =	sld [smem:$0x3FAF]  }
0x28: {  	s2 =	sld [smem:$0x3FB0]  }
0x29: {  	s4 =	sld [smem:$0x3FB2]  }
0x2a: {  	p0 =	seq.s32 s5, $0x0;
	s5 =	sld [smem:$0x3FB3]  }
0x2b: {  	s6 =	sld [smem:$0x3FB4]  }
0x2c: {  	s7 =	sld [smem:$0x3FB5]  }
0x2d: {  	s3 =	simm.s32 $0x108;
	s8 =	sld [smem:$0x3FB6]  }
0x2e: {  	s3 =	simm.s32 @!p0 $0x1082;
	s9 =	sld [smem:$0x3FB7]  }
0x2f: {  	lr =	sadd.s32 s0, s3;
	s0 =	sld [smem:$0x3FAE]  }
0x30: {  	s3 =	sld [smem:$0x3FB1]  }
0x31: {  	[smem:$0x3FBA] =	sst s10  }
0x32: {  	s10 =	sld [smem:$0x3FB8];
	_ =	sdelay $0x3  }
0x33: {  	p0 =	seq.s32 s10, $0x1;
	s10 =	sld [smem:$0x3FBA];
	_ =	sdelay $0x3  }
0x34: {  	[smem:$0x3FBA] =	sst s10  }
0x35: {  	s10 =	sld [smem:$0x3FB9];
	_ =	sdelay $0x3  }
0x36: {  	p1 =	seq.s32 s10, $0x1;
	s10 =	sld [smem:$0x3FBA];
	_ =	sdelay $0x3  }
0x37: {  	[smem:$0x3FBA] =	sst s10  }
0x38: {  	s10 =	sld [smem:$0x3FBB]  }
0x39: {  	_ = 	snop;
	(pc) =	sbr.ind lr, $3  }
0x3a: {  	_ = 	snop  }
0x3b: {  	_ = 	snop  }
0x3c: {  	p2 =	seq.s32 s10, $0x1;
	s10 =	sld [smem:$0x3FBA]  }
0x3d: {  	_ =	shalt  }
0x3e: {  	_ =	shalt  }
0x3f: {  	_ =	shalt  }
0x40: {  	_ =	shalt  }
0x41: {  	_ =	shalt  }
0x42: {  	_ =	shalt  }
0x43: {  	_ =	shalt  }
0x44: {  	_ =	shalt  }
0x45: {  	_ =	shalt  }
0x46: {  	_ =	shalt  }
0x47: {  	_ =	shalt  }
0x48: {  	_ =	shalt  }
0x49: {  	_ =	shalt  }
0x4a: {  	_ =	shalt  }
0x4b: {  	_ =	shalt  }
0x4c: {  	_ =	shalt  }
0x4d: {  	_ =	shalt  }
0x4e: {  	_ =	shalt  }
0x4f: {  	_ =	shalt  }
0x50: {  	_ =	shalt  }
0x51: {  	_ =	shalt  }
0x52: {  	_ =	shalt  }
0x53: {  	_ =	shalt  }
0x54: {  	_ =	shalt  }
0x55: {  	_ =	shalt  }
0x56: {  	_ =	shalt  }
0x57: {  	_ =	shalt  }
0x58: {  	_ =	shalt  }
0x59: {  	_ =	shalt  }
0x5a: {  	_ =	shalt  }
0x5b: {  	_ =	shalt  }
0x5c: {  	_ =	shalt  }
0x5d: {  	_ =	shalt  }
0x5e: {  	_ =	shalt  }
0x5f: {  	_ =	shalt  }
0x60: {  	_ =	shalt  }
0x61: {  	_ =	shalt  }
0x62: {  	_ =	shalt  }
0x63: {  	_ =	shalt  }
0x64: {  	_ =	shalt  }
0x65: {  	_ =	shalt  }
0x66: {  	_ =	shalt  }
0x67: {  	_ =	shalt  }
0x68: {  	_ =	shalt  }
0x69: {  	_ =	shalt  }
0x6a: {  	_ =	shalt  }
0x6b: {  	_ =	shalt  }
0x6c: {  	_ =	shalt  }
0x6d: {  	_ =	shalt  }
0x6e: {  	_ =	shalt  }
0x6f: {  	_ =	shalt  }
0x70: {  	_ =	shalt  }
0x71: {  	_ =	shalt  }
0x72: {  	_ =	shalt  }
0x73: {  	_ =	shalt  }
0x74: {  	_ =	shalt  }
0x75: {  	_ =	shalt  }
0x76: {  	_ =	shalt  }
0x77: {  	_ =	shalt  }
0x78: {  	_ =	shalt  }
0x79: {  	_ =	shalt  }
0x7a: {  	_ =	shalt  }
0x7b: {  	_ =	shalt  }
0x7c: {  	_ =	shalt  }
0x7d: {  	_ =	shalt  }
0x7e: {  	_ =	shalt  }
0x7f: {  	_ =	shalt  }
0x80: {  	_ =	shalt  }
0x81: {  	_ =	shalt  }
0x82: {  	_ =	shalt  }
0x83: {  	_ =	shalt  }
0x84: {  	_ =	shalt  }
0x85: {  	_ =	shalt  }
0x86: {  	_ =	shalt  }
0x87: {  	_ =	shalt  }
.Lfunc_end0:
.L_simem_size_0:
called_computation_lowered:
.L_overlay_start_0:
0x88: {  	s2 =	sld [smem:$0x3FD9]  }
0x89: {  	s3 =	sld [smem:$0x3FFE];
	_ =	sdelay $0x1  }
0x8a: {  	s1 =	srdreg.scid  }
0x8b: {  	s0 =	sand.u32 $0x1, s1  }
0x8c: {  	s18 =	sshll.u32 s0, $0xA;
	s2 =	sadd.s32 s3, s2  }
0x8d: {  	s2 =	sadd.s32 s2, s18  }
0x8e: {  	[smem:$0x3FC6] =	sst s2  }
0x8f: {  	_ = 	snop  }
0x90: {  	s2 =	sld [smem:$0x3FC9]  }
0x91: {  	s19 =	sld [smem:$0x3FC8]  }
0x92: {  	s4 =	sld [smem:$0x3FD0];
	(tm) =	ssettm $0x1  }
0x93: {  	s5 =	sld [smem:$0x3FFB];
	_ =	sdelay $0x3  }
0x94: {  	_ =	strace s5  }
0x95: {  	s5 =	sld [smem:$0x3FFC];
	_ =	sdelay $0x3  }
0x96: {  	_ =	strace s5  }
0x97: {  	s5 =	sld [smem:$0x3FFD];
	_ =	sdelay $0x3  }
0x98: {  	_ =	strace s5  }
0x99: {  	_ =	strace $0x8FFFFFFF  }
0x9a: {  	s20 =	sld [smem:$0x3FDB];
	_ =	sdelay $0x1  }
0x9b: {  	s6 =	simm.s32 $_scs_section_size  }
0x9c: {  	s7 =	simm.s32 $_size__tile_overlayer_lowered;
	s8 =	simm.s32 $_tile_overlayer_lowered  }
0x9d: {  	s23 =	simm.s32 $0x1BFF;
	s22 =	sshll.u32 s8, $0x1;
	s5 =	sadd.s32 s6, s20  }
0x9e: {  	s9 =	simm.s32 $0x0;
	s21 =	sshll.u32 s7, $0x1;
	s7 =	sadd.s32 s22, s5  }
0x9f: {  	[timem:s9], [sflag:s23] =	dma.local [hbm:s7], s21  }
0xa0: {  	_ =	swait.ge [sflag:s23], s21  }
0xa1: {  	s6 =	ssub.s32 $0x0, s21;
	[sflag:s23] =	ssyncset.done $0x0  }
0xa2: {  	[sflag:s23] =	ssyncadd.s32 s6;
	_ =	sdelay $0x1  }
0xa3: {  	s24 =	simm.s32 $0x1B8B  }
0xa4: {  	_ =	swait.ge [sflag:s24], $0x1  }
0xa5: {  	[sflag:s24] =	ssyncset.done $0x0  }
0xa6: {  	s25 =	simm.s32 $0x1B8E;
	[sflag:s24] =	ssyncadd.s32 $0xFFFFFFFF  }
0xa7: {  	s26 =	simm.s32 $execute0_lowered;
	[smem:$0x3FD2] =	sst s25  }
0xa8: {  	s6 =	sshll.u32 s26, $0x1;
	_ =	strace $0x80000046;
	[dreg:$0x1] =	wrdreg $0xFFFFFFFF  }
0xa9: {  	s28 =	simm.s32 $_size_execute0_lowered;
	s5 =	sadd.s32 s5, s6;
	[dreg:$0x0] =	wrdreg $0x0  }
0xaa: {  	s6 =	sshll.u32 s28, $0x1;
	[dreg:$0x2] =	wrdreg s5  }
0xab: {  	[dreg:$0x3] =	wrdreg s6  }
0xac: {  	[dreg:$0x4] =	wrdreg $0xC0  }
0xad: {  	_ =	task [dreg:s9], $0x5FFFF  }
0xae: {  	[dreg:$0x1] =	wrdreg $0xFFFFFFFF  }
0xaf: {  	[dreg:$0x0] =	wrdreg $0x60  }
0xb0: {  	[dreg:$0x2] =	wrdreg s2  }
0xb1: {  	[dreg:$0x3] =	wrdreg s19  }
0xb2: {  	[dreg:$0x4] =	wrdreg s4  }
0xb3: {  	[dreg:$0x5] =	wrdreg $0x9  }
0xb4: {  	_ =	task.clear_ibuf [dreg:s9], $0x6FFFF;
	_ =	strace $0x90000046  }
0xb5: {  	s29 =	simm.s32 $0x9;
	_ =	strace $0x80000048  }
0xb6: {  	_ =	swait.ge [sflag:s29], $0x1  }
0xb7: {  	[sflag:s29] =	ssyncadd.s32 $0xFFFFFFFF  }
0xb8: {  	_ =	strace $0x90000048  }
0xb9: {  	_ =	sfence  }
0xba: {  	s30 =	sld [smem:$0x0];
	_ =	sdelay $0x2  }
0xbb: {  	s31 =	sshll.u32 s1, $0xD;
	s1 =	sshrl.u32 s1, $0x2  }
0xbc: {  	s3 =	sand.u32 $0x4000, s31;
	s1 =	sadd.s32 s1, s30  }
0xbd: {  	s0 =	sor.u32 s3, s0;
	s1 =	sshll.u32 s1, $0x11  }
0xbe: {  	s0 =	sor.u32 s1, s0  }
0xbf: {  	s0 =	sadd.s32 $0x8F2B, s0  }
0xc0: {  	[sflag:s0] =	ssyncadd.remote.s32 $0x1  }
0xc1: {  	_ =	sfence.sel $0xFFFF  }
0xc2: {  	[dreg:$0x0] =	wrdreg $0xFFFFFFFF;
	(pc) =	sbr.abs _section_cstart, $3  }
0xc3: {  	[dreg:$0x1] =	wrdreg $0xFFFFFFFF  }
0xc4: {  	_ =	task.clear_ibuf [dreg:s9], $0x2FFFF;
	_ =	strace $0x9FFFFFFF  }
0xc5: {  	(tm) =	ssettm $0x7FFFFFFF  }
tec
execute0_lowered:
.L_overlay_start_1:
0x0: {  	(tag) =	ssettag $0x1  }
0x1: {  	s1 =	rddreg [dreg:$0x0];
	s0 =	srdreg.scid  }
0x2: {  	s11 =	stileid.u32;
	s2 =	rddreg [dreg:$0x1]  }
0x3: {  	s5 =	rddreg [dreg:$0x2];
	s14 =	simm.s32 $0x9;
	s15 =	simm.s32 $0x50  }
0x4: {  	s16 =	simm.s32 $0x1900;
	s17 =	simm.s32 $0x4100;
	s19 =	simm.s32 $0x6900  }
0x5: {  	s21 =	simm.s32 $0x9100;
	s22 =	simm.s32 $0x1;
	s28 =	simm.s32 $0x2  }
0x6: {  	s30 =	simm.s32 $0x10900;
	s18 =	simm.s32 $0x5;
	s20 =	simm.s32 $0x4  }
0x7: {  	s0 =	sand.u32 $0x1, s0;
	s3 =	sshll.u32 s11, $0x1;
	s26 =	smul.u32 $0x32000, s11  }
0x8: {  	s6 =	sor.u32 s0, s3;
	s7 =	ssub.s32 $0x2, s0;
	s0 =	smul.u32 $0x19000, s0  }
0x9: {  	s29 =	simm.s32 $0x8;
	s3 =	simm.s32 $0x0;
	s4 =	smul.u32 $0x1900, s6  }
0xa: {  	s31 =	simm.s32 $0x0;
	[smem:$0x7FF] =	sst s3;
	s8 =	smul.u32 $0x19000, s6  }
0xb: {  	s9 =	sshrl.u32 s7, $0x1;
	s6 =	smul.u32 $0xC8000, s6;
	s10 =	sshrl.u32 s4, $0x3  }
0xc: {  	_ =	strace $0x80000047;
	s4 =	sadd.s32 s5, s8;
	s2 =	sadd.s32 s2, s10  }
0xd: {  	s7 =	ssub.s32 s7, s9;
	s23 =	sadd.s32 $0x500, s4;
	[dreg:$0x5] =	wrdreg s2  }
0xe: {  	s25 =	sshrl.u32 s6, $0x3;
	s24 =	sadd.s32 $0xA00, s4;
	[dreg:$0x6] =	wrdreg s23  }
0xf: {  	s13 =	smax.u32 s7, $0x1;
	s8 =	sadd.s32 $0xF00, s4;
	[dreg:$0x7] =	wrdreg s24  }
0x10: {  	[dreg:$0x8] =	wrdreg s8;
	s2 =	sadd.s32 s5, s25;
	s5 =	sadd.s32 s26, s5  }
0x11: {  	s24 =	simm.s32 $0xB900;
	s26 =	simm.s32 $0xE100;
	s23 =	simm.s32 $0x6  }
0x12: {  	s25 =	simm.s32 $0x7;
	s9 =	sadd.s32 $0x1400, s2;
	s10 =	sadd.s32 $0x1900, s2  }
0x13: {  	s11 =	sadd.s32 $0x18600, s2;
	s12 =	sadd.s32 $0x18B00, s2;
	s0 =	sadd.s32 s0, s5  }
0x14: {  	s2 =	simm.s32 $0x13100;
	[dreg:$0x4] =	wrdreg s0;
	s0 =	simm.s32 $0x3  }
.LBB2_1:
0x15: {  	s5 =	rddreg [dreg:$0x5]  }
0x16: {  	[tilespmem:s3], [sflag:$0x9] =	stream.linear.gather [hbm4b:s5+s3], $0x1900, $0x38;
	[tilespmem:$0x15900] =	vst v63  }
0x17: {  	_ =	swait.ge [sflag:s14], $0x1900  }
0x18: {  	[sflag:s14] =	ssyncset.done $0x0  }
0x19: {  	[sflag:s14] =	ssyncadd.s32 $0xFFFFE700  }
0x1a: {  	[tilespmem:s16], [sflag:$0x1] =	stream.indirect.gather [hbm4b:s1+s15], $0x80, s3, s15, $0xb8;
	[tilespmem:$0x15900] =	vst v63  }
0x1b: {  	_ = 	snop  }
0x1c: {  	[tilespmem:s17], [sflag:$0x1] =	stream.indirect.gather [hbm4b:s1+s15], $0x80, s15, s15, $0xb8;
	[tilespmem:$0x15900] =	vst v63  }
0x1d: {  	s7 =	simm.s32 $0xA0  }
0x1e: {  	[tilespmem:s19], [sflag:$0x2] =	stream.indirect.gather [hbm4b:s1+s15], $0x80, s7, s15, $0xb8;
	[tilespmem:$0x15900] =	vst v63  }
0x1f: {  	s8 =	simm.s32 $0xF0  }
0x20: {  	[tilespmem:s21], [sflag:$0x2] =	stream.indirect.gather [hbm4b:s1+s15], $0x80, s8, s15, $0xb8;
	[tilespmem:$0x15900] =	vst v63  }
0x21: {  	_ =	swait.ge [sflag:s22], $0x2800  }
0x22: {  	[sflag:s22] =	ssyncset.done $0x0  }
0x23: {  	[sflag:s22] =	ssyncadd.s32 $0xFFFFD800  }
0x24: {  	_ =	swait.ge [sflag:s22], $0x2800  }
0x25: {  	[sflag:s22] =	ssyncset.done $0x0  }
0x26: {  	[sflag:s22] =	ssyncadd.s32 $0xFFFFD800  }
0x27: {  	[hbm4b:s4+s3] =	stream.linear.scatter [tilespmem:s16], [sflag:$0x5], $0x2800, $0x38;
	[tilespmem:$0x15900] =	vst v63  }
0x28: {  	s6 =	rddreg [dreg:$0x6]  }
0x29: {  	[hbm4b:s6+s3] =	stream.linear.scatter [tilespmem:s17], [sflag:$0x5], $0x2800, $0x38;
	[tilespmem:$0x15900] =	vst v63  }
0x2a: {  	s7 =	simm.s32 $0x140  }
0x2b: {  	[tilespmem:s24], [sflag:$0x3] =	stream.indirect.gather [hbm4b:s1+s15], $0x80, s7, s15, $0xb8;
	[tilespmem:$0x15900] =	vst v63  }
0x2c: {  	s8 =	simm.s32 $0x190  }
0x2d: {  	[tilespmem:s26], [sflag:$0x3] =	stream.indirect.gather [hbm4b:s1+s15], $0x80, s8, s15, $0xb8;
	[tilespmem:$0x15900] =	vst v63  }
0x2e: {  	_ =	swait.ge [sflag:s28], $0x2800  }
0x2f: {  	[sflag:s28] =	ssyncset.done $0x0  }
0x30: {  	[sflag:s28] =	ssyncadd.s32 $0xFFFFD800  }
0x31: {  	_ =	swait.ge [sflag:s28], $0x2800  }
0x32: {  	[sflag:s28] =	ssyncset.done $0x0  }
0x33: {  	s6 =	rddreg [dreg:$0x7];
	[sflag:s28] =	ssyncadd.s32 $0xFFFFD800  }
0x34: {  	[hbm4b:s6+s3] =	stream.linear.scatter [tilespmem:s19], [sflag:$0x6], $0x2800, $0x38;
	[tilespmem:$0x15900] =	vst v63  }
0x35: {  	s7 =	rddreg [dreg:$0x8]  }
0x36: {  	[hbm4b:s7+s3] =	stream.linear.scatter [tilespmem:s21], [sflag:$0x6], $0x2800, $0x38;
	[tilespmem:$0x15900] =	vst v63  }
0x37: {  	s8 =	simm.s32 $0x1E0  }
0x38: {  	[tilespmem:s30], [sflag:$0x4] =	stream.indirect.gather [hbm4b:s1+s15], $0x80, s8, s15, $0xb8;
	[tilespmem:$0x15900] =	vst v63  }
0x39: {  	s6 =	simm.s32 $0x230  }
0x3a: {  	[tilespmem:s2], [sflag:$0x4] =	stream.indirect.gather [hbm4b:s1+s15], $0x80, s6, s15, $0xb8;
	[tilespmem:$0x15900] =	vst v63  }
0x3b: {  	_ =	swait.ge [sflag:s0], $0x2800  }
0x3c: {  	[sflag:s0] =	ssyncset.done $0x0  }
0x3d: {  	[sflag:s0] =	ssyncadd.s32 $0xFFFFD800  }
0x3e: {  	_ =	swait.ge [sflag:s0], $0x2800  }
0x3f: {  	[sflag:s0] =	ssyncset.done $0x0  }
0x40: {  	[sflag:s0] =	ssyncadd.s32 $0xFFFFD800  }
0x41: {  	[hbm4b:s9+s3] =	stream.linear.scatter [tilespmem:s24], [sflag:$0x7], $0x2800, $0x38;
	[tilespmem:$0x15900] =	vst v63  }
0x42: {  	_ = 	snop  }
0x43: {  	[hbm4b:s10+s3] =	stream.linear.scatter [tilespmem:s26], [sflag:$0x7], $0x2800, $0x38;
	[tilespmem:$0x15900] =	vst v63  }
0x44: {  	_ =	swait.ge [sflag:s18], $0x2800  }
0x45: {  	[sflag:s18] =	ssyncset.done $0x0  }
0x46: {  	[sflag:s18] =	ssyncadd.s32 $0xFFFFD800  }
0x47: {  	_ =	swait.ge [sflag:s18], $0x2800  }
0x48: {  	[sflag:s18] =	ssyncset.done $0x0  }
0x49: {  	s7 =	simm.s32 $0x280;
	[sflag:s18] =	ssyncadd.s32 $0xFFFFD800  }
0x4a: {  	[tilespmem:s16], [sflag:$0x1] =	stream.indirect.gather [hbm4b:s1+s15], $0x80, s7, s15, $0xb8;
	[tilespmem:$0x15900] =	vst v63  }
0x4b: {  	s8 =	simm.s32 $0x2D0  }
0x4c: {  	[tilespmem:s17], [sflag:$0x1] =	stream.indirect.gather [hbm4b:s1+s15], $0x80, s8, s15, $0xb8;
	[tilespmem:$0x15900] =	vst v63  }
0x4d: {  	_ =	swait.ge [sflag:s20], $0x2800  }
0x4e: {  	[sflag:s20] =	ssyncset.done $0x0  }
0x4f: {  	[sflag:s20] =	ssyncadd.s32 $0xFFFFD800  }
0x50: {  	_ =	swait.ge [sflag:s20], $0x2800  }
0x51: {  	s6 =	rddreg [dreg:$0x4]  }
0x52: {  	[sflag:s20] =	ssyncset.done $0x0;
	s6 =	sadd.s32 $0x0, s6  }
0x53: {  	[sflag:s20] =	ssyncadd.s32 $0xFFFFD800;
	s5 =	sadd.s32 $0x1E00, s6  }
0x54: {  	[hbm4b:s5+s3] =	stream.linear.scatter [tilespmem:s30], [sflag:$0x8], $0x2800, $0x38;
	[tilespmem:$0x15900] =	vst v63  }
0x55: {  	s7 =	sadd.s32 $0x2300, s6  }
0x56: {  	[hbm4b:s7+s3] =	stream.linear.scatter [tilespmem:s2], [sflag:$0x8], $0x2800, $0x38;
	[tilespmem:$0x15900] =	vst v63  }
0x57: {  	_ =	swait.ge [sflag:s23], $0x2800  }
0x58: {  	[sflag:s23] =	ssyncset.done $0x0  }
0x59: {  	[sflag:s23] =	ssyncadd.s32 $0xFFFFD800  }
0x5a: {  	_ =	swait.ge [sflag:s23], $0x2800  }
0x5b: {  	[sflag:s23] =	ssyncset.done $0x0  }
0x5c: {  	s8 =	simm.s32 $0x320;
	[sflag:s23] =	ssyncadd.s32 $0xFFFFD800  }
0x5d: {  	[tilespmem:s19], [sflag:$0x2] =	stream.indirect.gather [hbm4b:s1+s15], $0x80, s8, s15, $0xb8;
	[tilespmem:$0x15900] =	vst v63  }
0x5e: {  	s7 =	simm.s32 $0x370  }
0x5f: {  	[tilespmem:s21], [sflag:$0x2] =	stream.indirect.gather [hbm4b:s1+s15], $0x80, s7, s15, $0xb8;
	[tilespmem:$0x15900] =	vst v63  }
0x60: {  	_ =	swait.ge [sflag:s22], $0x2800  }
0x61: {  	[sflag:s22] =	ssyncset.done $0x0  }
0x62: {  	[sflag:s22] =	ssyncadd.s32 $0xFFFFD800  }
0x63: {  	_ =	swait.ge [sflag:s22], $0x2800  }
0x64: {  	[sflag:s22] =	ssyncset.done $0x0  }
0x65: {  	s8 =	sadd.s32 $0x2800, s6;
	[sflag:s22] =	ssyncadd.s32 $0xFFFFD800  }
0x66: {  	[hbm4b:s8+s3] =	stream.linear.scatter [tilespmem:s16], [sflag:$0x5], $0x2800, $0x38;
	[tilespmem:$0x15900] =	vst v63  }
0x67: {  	s7 =	sadd.s32 $0x2D00, s6  }
0x68: {  	[hbm4b:s7+s3] =	stream.linear.scatter [tilespmem:s17], [sflag:$0x5], $0x2800, $0x38;
	[tilespmem:$0x15900] =	vst v63  }
0x69: {  	_ =	swait.ge [sflag:s25], $0x2800  }
0x6a: {  	[sflag:s25] =	ssyncset.done $0x0  }
0x6b: {  	[sflag:s25] =	ssyncadd.s32 $0xFFFFD800  }
0x6c: {  	_ =	swait.ge [sflag:s25], $0x2800  }
0x6d: {  	[sflag:s25] =	ssyncset.done $0x0  }
0x6e: {  	s8 =	simm.s32 $0x3C0;
	[sflag:s25] =	ssyncadd.s32 $0xFFFFD800  }
0x6f: {  	[tilespmem:s24], [sflag:$0x3] =	stream.indirect.gather [hbm4b:s1+s15], $0x80, s8, s15, $0xb8;
	[tilespmem:$0x15900] =	vst v63  }
0x70: {  	s7 =	simm.s32 $0x410  }
0x71: {  	[tilespmem:s26], [sflag:$0x3] =	stream.indirect.gather [hbm4b:s1+s15], $0x80, s7, s15, $0xb8;
	[tilespmem:$0x15900] =	vst v63  }
0x72: {  	_ =	swait.ge [sflag:s28], $0x2800  }
0x73: {  	[sflag:s28] =	ssyncset.done $0x0  }
0x74: {  	[sflag:s28] =	ssyncadd.s32 $0xFFFFD800  }
0x75: {  	_ =	swait.ge [sflag:s28], $0x2800  }
0x76: {  	[sflag:s28] =	ssyncset.done $0x0  }
0x77: {  	s8 =	sadd.s32 $0x3200, s6;
	[sflag:s28] =	ssyncadd.s32 $0xFFFFD800  }
0x78: {  	[hbm4b:s8+s3] =	stream.linear.scatter [tilespmem:s19], [sflag:$0x6], $0x2800, $0x38;
	[tilespmem:$0x15900] =	vst v63  }
0x79: {  	s7 =	sadd.s32 $0x3700, s6  }
0x7a: {  	[hbm4b:s7+s3] =	stream.linear.scatter [tilespmem:s21], [sflag:$0x6], $0x2800, $0x38;
	[tilespmem:$0x15900] =	vst v63  }
0x7b: {  	_ =	swait.ge [sflag:s29], $0x2800  }
0x7c: {  	[sflag:s29] =	ssyncset.done $0x0  }
0x7d: {  	[sflag:s29] =	ssyncadd.s32 $0xFFFFD800  }
0x7e: {  	_ =	swait.ge [sflag:s29], $0x2800  }
0x7f: {  	[sflag:s29] =	ssyncset.done $0x0  }
0x80: {  	s8 =	simm.s32 $0x460;
	[sflag:s29] =	ssyncadd.s32 $0xFFFFD800  }
0x81: {  	[tilespmem:s30], [sflag:$0x4] =	stream.indirect.gather [hbm4b:s1+s15], $0x80, s8, s15, $0xb8;
	[tilespmem:$0x15900] =	vst v63  }
0x82: {  	s7 =	simm.s32 $0x4B0  }
0x83: {  	[tilespmem:s2], [sflag:$0x4] =	stream.indirect.gather [hbm4b:s1+s15], $0x80, s7, s15, $0xb8;
	[tilespmem:$0x15900] =	vst v63  }
0x84: {  	_ =	swait.ge [sflag:s0], $0x2800  }
0x85: {  	[sflag:s0] =	ssyncset.done $0x0  }
0x86: {  	[sflag:s0] =	ssyncadd.s32 $0xFFFFD800  }
0x87: {  	_ =	swait.ge [sflag:s0], $0x2800  }
0x88: {  	s5 =	simm.s32 $0x2800;
	s8 =	sadd.s32 $0x3C00, s6;
	[sflag:s0] =	ssyncset.done $0x0  }
0x89: {  	s7 =	sadd.s32 $0x4100, s6;
	s6 =	simm.s32 $0x500;
	[sflag:s0] =	ssyncadd.s32 $0xFFFFD800  }
0x8a: {  	[hbm4b:s8+s3] =	stream.linear.scatter [tilespmem:s24], [sflag:$0x7], $0x2800, $0x38;
	[tilespmem:$0x15900] =	vst v63  }
.LBB2_2:
0x8b: {  	[hbm4b:s7+s3] =	stream.linear.scatter [tilespmem:s26], [sflag:$0x7], $0x2800, $0x38;
	[tilespmem:$0x15900] =	vst v63  }
0x8c: {  	_ =	swait.ge [sflag:s18], $0x2800  }
0x8d: {  	[sflag:s18] =	ssyncset.done $0x0  }
0x8e: {  	[sflag:s18] =	ssyncadd.s32 $0xFFFFD800  }
0x8f: {  	_ =	swait.ge [sflag:s18], $0x2800  }
0x90: {  	[sflag:s18] =	ssyncset.done $0x0  }
0x91: {  	[sflag:s18] =	ssyncadd.s32 $0xFFFFD800  }
0x92: {  	[tilespmem:s16], [sflag:$0x1] =	stream.indirect.gather [hbm4b:s1+s15], $0x80, s6, s15, $0xb8;
	[tilespmem:$0x15900] =	vst v63  }
0x93: {  	s8 =	sadd.s32 $0x50, s6  }
0x94: {  	[tilespmem:s17], [sflag:$0x1] =	stream.indirect.gather [hbm4b:s1+s15], $0x80, s8, s15, $0xb8;
	[tilespmem:$0x15900] =	vst v63  }
0x95: {  	_ =	swait.ge [sflag:s20], $0x2800  }
0x96: {  	[sflag:s20] =	ssyncset.done $0x0  }
0x97: {  	[sflag:s20] =	ssyncadd.s32 $0xFFFFD800  }
0x98: {  	_ =	swait.ge [sflag:s20], $0x2800  }
0x99: {  	s7 =	smov.u32 s5;
	s8 =	rddreg [dreg:$0x4]  }
0x9a: {  	[sflag:s20] =	ssyncset.done $0x0;
	s7 =	sadd.s32 s7, s8  }
0x9b: {  	[sflag:s20] =	ssyncadd.s32 $0xFFFFD800;
	s8 =	sadd.s32 $0x1E00, s7  }
0x9c: {  	[hbm4b:s8+s3] =	stream.linear.scatter [tilespmem:s30], [sflag:$0x8], $0x2800, $0x38;
	[tilespmem:$0x15900] =	vst v63  }
0x9d: {  	s8 =	sadd.s32 $0x2300, s7  }
0x9e: {  	[hbm4b:s8+s3] =	stream.linear.scatter [tilespmem:s2], [sflag:$0x8], $0x2800, $0x38;
	[tilespmem:$0x15900] =	vst v63  }
0x9f: {  	_ =	swait.ge [sflag:s23], $0x2800  }
0xa0: {  	[sflag:s23] =	ssyncset.done $0x0  }
0xa1: {  	[sflag:s23] =	ssyncadd.s32 $0xFFFFD800  }
0xa2: {  	_ =	swait.ge [sflag:s23], $0x2800  }
0xa3: {  	[sflag:s23] =	ssyncset.done $0x0  }
0xa4: {  	s8 =	sadd.s32 $0xA0, s6;
	[sflag:s23] =	ssyncadd.s32 $0xFFFFD800  }
0xa5: {  	[tilespmem:s19], [sflag:$0x2] =	stream.indirect.gather [hbm4b:s1+s15], $0x80, s8, s15, $0xb8;
	[tilespmem:$0x15900] =	vst v63  }
0xa6: {  	s8 =	sadd.s32 $0xF0, s6  }
0xa7: {  	[tilespmem:s21], [sflag:$0x2] =	stream.indirect.gather [hbm4b:s1+s15], $0x80, s8, s15, $0xb8;
	[tilespmem:$0x15900] =	vst v63  }
0xa8: {  	_ =	swait.ge [sflag:s22], $0x2800  }
0xa9: {  	[sflag:s22] =	ssyncset.done $0x0  }
0xaa: {  	[sflag:s22] =	ssyncadd.s32 $0xFFFFD800  }
0xab: {  	_ =	swait.ge [sflag:s22], $0x2800  }
0xac: {  	[sflag:s22] =	ssyncset.done $0x0  }
0xad: {  	s8 =	sadd.s32 $0x2800, s7;
	[sflag:s22] =	ssyncadd.s32 $0xFFFFD800  }
0xae: {  	[hbm4b:s8+s3] =	stream.linear.scatter [tilespmem:s16], [sflag:$0x5], $0x2800, $0x38;
	[tilespmem:$0x15900] =	vst v63  }
0xaf: {  	s8 =	sadd.s32 $0x2D00, s7  }
0xb0: {  	[hbm4b:s8+s3] =	stream.linear.scatter [tilespmem:s17], [sflag:$0x5], $0x2800, $0x38;
	[tilespmem:$0x15900] =	vst v63  }
0xb1: {  	_ =	swait.ge [sflag:s25], $0x2800  }
0xb2: {  	[sflag:s25] =	ssyncset.done $0x0  }
0xb3: {  	[sflag:s25] =	ssyncadd.s32 $0xFFFFD800  }
0xb4: {  	_ =	swait.ge [sflag:s25], $0x2800  }
0xb5: {  	[sflag:s25] =	ssyncset.done $0x0  }
0xb6: {  	s8 =	sadd.s32 $0x140, s6;
	[sflag:s25] =	ssyncadd.s32 $0xFFFFD800  }
0xb7: {  	[tilespmem:s24], [sflag:$0x3] =	stream.indirect.gather [hbm4b:s1+s15], $0x80, s8, s15, $0xb8;
	[tilespmem:$0x15900] =	vst v63  }
0xb8: {  	s8 =	sadd.s32 $0x190, s6  }
0xb9: {  	[tilespmem:s26], [sflag:$0x3] =	stream.indirect.gather [hbm4b:s1+s15], $0x80, s8, s15, $0xb8;
	[tilespmem:$0x15900] =	vst v63  }
0xba: {  	_ =	swait.ge [sflag:s28], $0x2800  }
0xbb: {  	[sflag:s28] =	ssyncset.done $0x0  }
0xbc: {  	[sflag:s28] =	ssyncadd.s32 $0xFFFFD800  }
0xbd: {  	_ =	swait.ge [sflag:s28], $0x2800  }
0xbe: {  	[sflag:s28] =	ssyncset.done $0x0  }
0xbf: {  	s8 =	sadd.s32 $0x3200, s7;
	[sflag:s28] =	ssyncadd.s32 $0xFFFFD800  }
0xc0: {  	[hbm4b:s8+s3] =	stream.linear.scatter [tilespmem:s19], [sflag:$0x6], $0x2800, $0x38;
	[tilespmem:$0x15900] =	vst v63  }
0xc1: {  	s8 =	sadd.s32 $0x3700, s7  }
0xc2: {  	[hbm4b:s8+s3] =	stream.linear.scatter [tilespmem:s21], [sflag:$0x6], $0x2800, $0x38;
	[tilespmem:$0x15900] =	vst v63  }
0xc3: {  	_ =	swait.ge [sflag:s29], $0x2800  }
0xc4: {  	[sflag:s29] =	ssyncset.done $0x0  }
0xc5: {  	[sflag:s29] =	ssyncadd.s32 $0xFFFFD800  }
0xc6: {  	_ =	swait.ge [sflag:s29], $0x2800  }
0xc7: {  	[sflag:s29] =	ssyncset.done $0x0  }
0xc8: {  	s8 =	sadd.s32 $0x1E0, s6;
	[sflag:s29] =	ssyncadd.s32 $0xFFFFD800  }
0xc9: {  	[tilespmem:s30], [sflag:$0x4] =	stream.indirect.gather [hbm4b:s1+s15], $0x80, s8, s15, $0xb8;
	[tilespmem:$0x15900] =	vst v63  }
0xca: {  	s8 =	sadd.s32 $0x230, s6  }
0xcb: {  	[tilespmem:s2], [sflag:$0x4] =	stream.indirect.gather [hbm4b:s1+s15], $0x80, s8, s15, $0xb8;
	[tilespmem:$0x15900] =	vst v63  }
0xcc: {  	_ =	swait.ge [sflag:s0], $0x2800  }
0xcd: {  	p0 =	sne.s32 s5, $0x14000;
	[sflag:s0] =	ssyncset.done $0x0  }
.Ltmp0:
0xce: {  	[sflag:s0] =	ssyncadd.s32 $0xFFFFD800;
	(pc) =	sbr.rel @p0 .LBB2_2-.Ltmp0, $4  }
0xcf: {  	_ =	swait.ge [sflag:s0], $0x2800  }
0xd0: {  	s5 =	sadd.s32 $0x2800, s5;
	s6 =	sadd.s32 $0x280, s6;
	[sflag:s0] =	ssyncset.done $0x0  }
0xd1: {  	s8 =	sadd.s32 $0x3C00, s7;
	s7 =	sadd.s32 $0x4100, s7;
	[sflag:s0] =	ssyncadd.s32 $0xFFFFD800  }
0xd2: {  	[hbm4b:s8+s3] =	stream.linear.scatter [tilespmem:s24], [sflag:$0x7], $0x2800, $0x38;
	[tilespmem:$0x15900] =	vst v63  }
0xd3: {  	[hbm4b:s7+s3] =	stream.linear.scatter [tilespmem:s26], [sflag:$0x7], $0x2800, $0x38;
	[tilespmem:$0x15900] =	vst v63  }
0xd4: {  	_ =	swait.ge [sflag:s20], $0x2800  }
0xd5: {  	[sflag:s20] =	ssyncset.done $0x0  }
0xd6: {  	[sflag:s20] =	ssyncadd.s32 $0xFFFFD800  }
0xd7: {  	_ =	swait.ge [sflag:s20], $0x2800  }
0xd8: {  	[sflag:s20] =	ssyncset.done $0x0  }
0xd9: {  	[sflag:s20] =	ssyncadd.s32 $0xFFFFD800  }
0xda: {  	[hbm4b:s11+s3] =	stream.linear.scatter [tilespmem:s30], [sflag:$0x8], $0x2800, $0x38;
	[tilespmem:$0x15900] =	vst v63  }
0xdb: {  	_ = 	snop  }
0xdc: {  	[hbm4b:s12+s3] =	stream.linear.scatter [tilespmem:s2], [sflag:$0x8], $0x2800, $0x38;
	[tilespmem:$0x15900] =	vst v63  }
0xdd: {  	_ =	swait.ge [sflag:s18], $0x2800  }
0xde: {  	[sflag:s18] =	ssyncset.done $0x0  }
0xdf: {  	[sflag:s18] =	ssyncadd.s32 $0xFFFFD800  }
0xe0: {  	_ =	swait.ge [sflag:s18], $0x2800  }
0xe1: {  	[sflag:s18] =	ssyncset.done $0x0  }
0xe2: {  	[sflag:s18] =	ssyncadd.s32 $0xFFFFD800  }
0xe3: {  	_ =	swait.ge [sflag:s23], $0x2800  }
0xe4: {  	[sflag:s23] =	ssyncset.done $0x0  }
0xe5: {  	[sflag:s23] =	ssyncadd.s32 $0xFFFFD800  }
0xe6: {  	_ =	swait.ge [sflag:s23], $0x2800  }
0xe7: {  	[sflag:s23] =	ssyncset.done $0x0  }
0xe8: {  	[sflag:s23] =	ssyncadd.s32 $0xFFFFD800  }
0xe9: {  	_ =	swait.ge [sflag:s25], $0x2800  }
0xea: {  	[sflag:s25] =	ssyncset.done $0x0  }
0xeb: {  	[sflag:s25] =	ssyncadd.s32 $0xFFFFD800  }
0xec: {  	_ =	swait.ge [sflag:s25], $0x2800  }
0xed: {  	[sflag:s25] =	ssyncset.done $0x0  }
0xee: {  	s31 =	sadd.s32 $0x1, s31;
	[sflag:s25] =	ssyncadd.s32 $0xFFFFD800  }
0xef: {  	p0 =	sne.s32 s31, s13;
	_ =	swait.ge [sflag:s29], $0x2800  }
.Ltmp1:
0xf0: {  	[sflag:s29] =	ssyncset.done $0x0;
	(pc) =	sbr.rel @p0 .LBB2_1-.Ltmp1, $4  }
0xf1: {  	[sflag:s29] =	ssyncadd.s32 $0xFFFFD800  }
0xf2: {  	_ =	swait.ge [sflag:s29], $0x2800  }
0xf3: {  	[sflag:s29] =	ssyncset.done $0x0  }
0xf4: {  	[sflag:s29] =	ssyncadd.s32 $0xFFFFD800  }
0xf5: {  	_ =	sfence.sel $0x180000  }
0xf6: {  	[bflag:$0x0] =	sbarrier.arrive $0xFFFF  }
0xf7: {  	_ =	strace $0x90000047  }
0xf8: {  	s0 =	stileid.u32;
	[bflag:$0x2] =	sbarrier.arrive $0xFFFF  }
0xf9: {  	p0 =	sne.s32 s0, $0x0;
	s0 =	rddreg [dreg:$0x3]  }
0xfa: {  	s0 =	sadd.s32 @!p0 $0x100000, s0  }
0xfb: {  	[sflag:s0] =	ssyncadd.tile.s32 @!p0 $0x1;
	_ =	shalt  }
.Lfunc_end2:
_tile_overlayer_lowered:
.L_overlay_start_2:
0xfc: {  	(tag) =	ssettag $0x2  }
0xfd: {  	s0 =	rddreg [dreg:$0x0];
	s2 =	stileid.u32  }
0xfe: {  	s1 =	rddreg [dreg:$0x1];
	p0 =	sne.s32 s2, $0x0  }
0xff: {  	s3 =	rddreg [dreg:$0x2];
	[bflag:$0x3] =	sbarrier.arrive $0xFFFF;
	s2 =	simm.s32 @!p0 $0x1C09  }
0x100: {  	[timem:s3], [sflag:s2] =	dma.local @!p0 [hbm:s0], s1  }
0x101: {  	s0 =	simm.s32 @!p0 $0x9  }
0x102: {  	_ =	swait.ge @!p0 [sflag:s0], s1  }
0x103: {  	s1 =	ssub.s32 @!p0 $0x0, s1;
	[sflag:s0] =	ssyncset.done @!p0 $0x0  }
0x104: {  	[sflag:s0] =	ssyncadd.s32 @!p0 s1  }
0x105: {  	[bflag:$0x3] =	sbarrier.arrive $0xFFFF  }
0x106: {  	_ =	shalt  }

</sc_bundles>
